<compile_context>
chip_gen: v7x
topology: tpu7x:2x2x1
jax: 0.10.2.dev20260603
libtpu: 0.0.44.dev20260713+nightly
codegen_flags: <defaults>
</compile_context>

<pallas_src>
import jax
import jax.numpy as jnp
from jax import lax
from jax.experimental import pallas as pl
from jax.experimental.pallas import tpu as pltpu
from jax.experimental.pallas import tpu_sc as plsc

N = 10000
E = 320000
D = 128
DE = 16
H = 128
G = 64
DOUT = 1

NC = 2
NS = 16
NW = NC * NS
EPT = E // NW
CH = 80
NCHUNK = EPT // CH
NPAD = 10240
RPT = NPAD // NS

BN = 1000
NBLK = N // BN
EB = 4000
NEB = E // EB

HIGH = lax.Precision.HIGHEST


def _sc_body(z_d, y_hbm, m_hbm, src_hbm, dst_hbm, agg_out,
             src_v0, dst_v0, rows_v0, mrows_v0,
             src_v1, dst_v1, rows_v1, mrows_v1,
             acc, sem_i, sem_g, sem_m):
    c = lax.axis_index("c")
    s = lax.axis_index("s")
    wid = c * NS + s

    def init_body(r, carry):
        off = s * RPT + r * CH
        pltpu.sync_copy(z_d.at[pl.ds(off, CH)], rows_v0)
        pltpu.sync_copy(rows_v0, acc.at[pl.ds(off, CH)])
        return carry

    lax.fori_loop(0, RPT // CH, init_body, 0)
    plsc.subcore_barrier()

    def body(t, carry):
        b0 = wid * EPT + (2 * t) * CH
        b1 = b0 + CH
        i0 = pltpu.async_copy(src_hbm.at[pl.ds(b0, CH)], src_v0, sem_i)
        i1 = pltpu.async_copy(dst_hbm.at[pl.ds(b0, CH)], dst_v0, sem_i)
        i2 = pltpu.async_copy(src_hbm.at[pl.ds(b1, CH)], src_v1, sem_i)
        i3 = pltpu.async_copy(dst_hbm.at[pl.ds(b1, CH)], dst_v1, sem_i)
        m0 = pltpu.async_copy(m_hbm.at[pl.ds(b0, CH)], mrows_v0, sem_m)
        m1 = pltpu.async_copy(m_hbm.at[pl.ds(b1, CH)], mrows_v1, sem_m)
        i0.wait(); i1.wait(); i2.wait(); i3.wait()
        g0 = pltpu.async_copy(y_hbm.at[src_v0], rows_v0, sem_g)
        g1 = pltpu.async_copy(y_hbm.at[src_v1], rows_v1, sem_g)
        g0.wait(); g1.wait(); m0.wait(); m1.wait()
        pltpu.sync_copy(rows_v0, acc.at[dst_v0], add=True)
        pltpu.sync_copy(mrows_v0, acc.at[dst_v0], add=True)
        pltpu.sync_copy(rows_v1, acc.at[dst_v1], add=True)
        pltpu.sync_copy(mrows_v1, acc.at[dst_v1], add=True)
        return carry

    lax.fori_loop(0, NCHUNK // 2, body, 0)

    bl = wid * EPT + (NCHUNK - 1) * CH
    pltpu.sync_copy(src_hbm.at[pl.ds(bl, CH)], src_v0)
    pltpu.sync_copy(dst_hbm.at[pl.ds(bl, CH)], dst_v0)
    pltpu.async_copy(y_hbm.at[src_v0], rows_v0, sem_g).wait()
    pltpu.sync_copy(m_hbm.at[pl.ds(bl, CH)], mrows_v0)
    pltpu.sync_copy(rows_v0, acc.at[dst_v0], add=True)
    pltpu.sync_copy(mrows_v0, acc.at[dst_v0], add=True)

    plsc.subcore_barrier()

    def out_body(r, carry):
        off = s * RPT + r * CH
        pltpu.sync_copy(acc.at[pl.ds(off, CH)], rows_v0)
        pltpu.sync_copy(rows_v0, agg_out.at[c, pl.ds(off, CH)])
        return carry

    lax.fori_loop(0, RPT // CH, out_body, 0)


_sc_agg = pl.kernel(
    _sc_body,
    out_type=jax.ShapeDtypeStruct((NC, NPAD, D), jnp.float32),
    mesh=plsc.VectorSubcoreMesh(core_axis_name="c", subcore_axis_name="s"),
    scratch_types=[
        pltpu.VMEM((CH,), jnp.int32),
        pltpu.VMEM((CH,), jnp.int32),
        pltpu.VMEM((CH, D), jnp.float32),
        pltpu.VMEM((CH, D), jnp.float32),
        pltpu.VMEM((CH,), jnp.int32),
        pltpu.VMEM((CH,), jnp.int32),
        pltpu.VMEM((CH, D), jnp.float32),
        pltpu.VMEM((CH, D), jnp.float32),
        pltpu.VMEM_SHARED((NPAD, D), jnp.float32),
        pltpu.SemaphoreType.DMA,
        pltpu.SemaphoreType.DMA,
        pltpu.SemaphoreType.DMA,
    ],
)


def _mm_body(a_r, b_r, o_r):
    o_r[...] = jnp.dot(a_r[...], b_r[...], preferred_element_type=jnp.float32)


_y_mm = pl.pallas_call(
    _mm_body,
    grid=(NBLK,),
    in_specs=[
        pl.BlockSpec((BN, D), lambda i: (i, 0)),
        pl.BlockSpec((D, H), lambda i: (0, 0)),
    ],
    out_specs=pl.BlockSpec((BN, H), lambda i: (i, 0)),
    out_shape=jax.ShapeDtypeStruct((N, H), jnp.float32),
)

_m_mm = pl.pallas_call(
    _mm_body,
    grid=(NEB,),
    in_specs=[
        pl.BlockSpec((EB, DE), lambda i: (i, 0)),
        pl.BlockSpec((DE, H), lambda i: (0, 0)),
    ],
    out_specs=pl.BlockSpec((EB, H), lambda i: (i, 0)),
    out_shape=jax.ShapeDtypeStruct((E, H), jnp.float32),
)


def _tc_body(x_r, agg_r, bat_r, ws_r, bm_r, wp_r, bp_r,
             out_r, gsum_r, cnt_r):
    i = pl.program_id(0)

    @pl.when(i == 0)
    def _():
        gsum_r[...] = jnp.zeros_like(gsum_r)
        cnt_r[...] = jnp.zeros_like(cnt_r)

    h = (jnp.dot(x_r[...], ws_r[...], preferred_element_type=jnp.float32)
         + (agg_r[0] + agg_r[1]) + bm_r[...])
    h = jnp.where(h > 0, h, 0.01 * h)

    bat = bat_r[...].reshape(1, BN)
    oh = (lax.broadcasted_iota(jnp.int32, (G, BN), 0) == bat
          ).astype(jnp.float32)
    gsum_r[...] += jnp.dot(oh, h, preferred_element_type=jnp.float32,
                           precision=HIGH)
    cnt_r[...] += jnp.sum(oh, axis=1, keepdims=True)

    @pl.when(i == pl.num_programs(0) - 1)
    def _():
        gmean = gsum_r[...] / jnp.maximum(cnt_r[...], 1.0)
        nrm = jnp.sqrt(jnp.sum(gmean * gmean, axis=1, keepdims=True))
        embs = gmean / jnp.maximum(nrm, 1e-12)
        out_r[...] = (jnp.dot(embs, wp_r[...],
                              preferred_element_type=jnp.float32) + bp_r[...])


_tc_head = pl.pallas_call(
    _tc_body,
    grid=(NBLK,),
    in_specs=[
        pl.BlockSpec((BN, D), lambda i: (i, 0)),
        pl.BlockSpec((NC, BN, H), lambda i: (0, i, 0)),
        pl.BlockSpec((1, 1, BN), lambda i: (i, 0, 0)),
        pl.BlockSpec((D, H), lambda i: (0, 0)),
        pl.BlockSpec((1, H), lambda i: (0, 0)),
        pl.BlockSpec((H, DOUT), lambda i: (0, 0)),
        pl.BlockSpec((1, DOUT), lambda i: (0, 0)),
    ],
    out_specs=pl.BlockSpec((G, DOUT), lambda i: (0, 0)),
    out_shape=jax.ShapeDtypeStruct((G, DOUT), jnp.float32),
    scratch_shapes=[
        pltpu.VMEM((G, H), jnp.float32),
        pltpu.VMEM((G, 1), jnp.float32),
    ],
)


def kernel(x, edge_index, edge_attr, batch, W_self, W_msg, W_edge, b_msg,
           Wp, bp):
    src = edge_index[0]
    dst = edge_index[1]
    y = _y_mm(x, W_msg)
    m = _m_mm(edge_attr, W_edge)
    z_d = jnp.zeros((NPAD, D), jnp.float32)
    agg2 = _sc_agg(z_d, y, m, src, dst)
    bat3 = batch.reshape(NBLK, 1, BN)
    return _tc_head(x, agg2, bat3, W_self, b_msg.reshape(1, H),
                    Wp, bp.reshape(1, DOUT))

# --- scband reference (transcript-rebuilt; emitter-appended) ---
"""Pipeline reference for scband-cross-mod-net-11287174054556 (READ-ONLY COPY).

The authoritative reference and input builder live on the scoring server;
editing this copy changes nothing except your own understanding.
"""

import jax, jax.numpy as jnp
import numpy as np

N = 10000
E = 320000
D = 128
DE = 16
H = 128
G = 64
DOUT = 1


def setup_inputs(seed: int = 0) -> dict:
    key = jax.random.key(seed)
    ks = jax.random.split(key, 10)
    x = jax.random.normal(ks[0], (N, D), dtype=jnp.float32)
    edge_index = jax.random.randint(ks[1], (2, E), 0, N, dtype=jnp.int32)
    edge_attr = jax.random.normal(ks[2], (E, DE), dtype=jnp.float32)
    batch = jnp.sort(jax.random.randint(ks[3], (N,), 0, G, dtype=jnp.int32))
    W_self = jax.random.normal(ks[4], (D, H), dtype=jnp.float32) * (1.0 / np.sqrt(D))
    W_msg = jax.random.normal(ks[5], (D, H), dtype=jnp.float32) * (1.0 / np.sqrt(D))
    W_edge = jax.random.normal(ks[6], (DE, H), dtype=jnp.float32) * (1.0 / np.sqrt(DE))
    b_msg = jnp.zeros((H,), dtype=jnp.float32)
    Wp = jax.random.normal(ks[7], (H, DOUT), dtype=jnp.float32) * (1.0 / np.sqrt(H))
    bp = jnp.zeros((DOUT,), dtype=jnp.float32)
    return {"x": x, "edge_index": edge_index, "edge_attr": edge_attr, "batch": batch,
            "W_self": W_self, "W_msg": W_msg, "W_edge": W_edge, "b_msg": b_msg,
            "Wp": Wp, "bp": bp}


def reference(x, edge_index, edge_attr, batch, W_self, W_msg, W_edge, b_msg, Wp, bp):
    # emb_net: edge-conditioned message passing + global mean pool
    src = edge_index[0]
    dst = edge_index[1]
    msg = jnp.take(x, src, axis=0) @ W_msg + edge_attr @ W_edge  # gather + dense
    agg = jax.ops.segment_sum(msg, dst, num_segments=N)          # scatter-add
    h = x @ W_self + agg + b_msg
    h = jnp.where(h > 0, h, 0.01 * h)  # leaky_relu
    # global mean pool per graph
    gsum = jax.ops.segment_sum(h, batch, num_segments=G)
    cnt = jax.ops.segment_sum(jnp.ones((N, 1), dtype=jnp.float32), batch, num_segments=G)
    gmean = gsum / jnp.maximum(cnt, 1.0)
    # F.normalize(p=2, dim=1) with eps=1e-12
    nrm = jnp.maximum(jnp.linalg.norm(gmean, axis=1, keepdims=True), 1e-12)
    embs = gmean / nrm
    # pred_net: Linear(dim_hidden, dim_out)
    out = embs @ Wp + bp
    return out

if __name__ == "__main__":
    import jax
    _d = setup_inputs()
    print(jax.jit(kernel)(*tuple(_d.values())))

</pallas_src>

<mosaic_0001>
#map = affine_map<(d0, d1) -> (0, 0)>
#map1 = affine_map<(d0, d1) -> (0)>
#map2 = affine_map<(d0, d1) -> (0, 0, 0)>
module attributes {stable_mosaic.version = 14 : i64} {
  func.func @_sc_body(%arg0: i32, %arg1: i32, %arg2: memref<10240x128xf32, #tpu.memory_space<hbm>>, %arg3: memref<10000x128xf32, #tpu.memory_space<hbm>>, %arg4: memref<320000x128xf32, #tpu.memory_space<hbm>>, %arg5: memref<320000xi32, #tpu.memory_space<hbm>>, %arg6: memref<320000xi32, #tpu.memory_space<hbm>>, %arg7: memref<2x10240x128xf32, #tpu.memory_space<hbm>>, %arg8: memref<80xi32, #tpu.memory_space<vmem>>, %arg9: memref<80xi32, #tpu.memory_space<vmem>>, %arg10: memref<80x128xf32, #tpu.memory_space<vmem>>, %arg11: memref<80x128xf32, #tpu.memory_space<vmem>>, %arg12: memref<80xi32, #tpu.memory_space<vmem>>, %arg13: memref<80xi32, #tpu.memory_space<vmem>>, %arg14: memref<80x128xf32, #tpu.memory_space<vmem>>, %arg15: memref<80x128xf32, #tpu.memory_space<vmem>>, %arg16: memref<10240x128xf32, #tpu.memory_space<vmem_shared>>, %arg17: memref<!tpu.dma_semaphore, #tpu.memory_space<semaphore_mem>>, %arg18: memref<!tpu.dma_semaphore, #tpu.memory_space<semaphore_mem>>, %arg19: memref<!tpu.dma_semaphore, #tpu.memory_space<semaphore_mem>>) attributes {dimension_semantics = [#tpu.dimension_semantics<core_parallel>, #tpu.dimension_semantics<subcore_parallel>], iteration_bounds = array<i64: 2, 16>, scalar_prefetch = 0 : i64, scratch_operands = 12 : i64, tpu.core_type = #tpu.core_type<sc_vector_subcore>, window_params = [{transform_indices = #map}, {transform_indices = #map}, {transform_indices = #map}, {transform_indices = #map1}, {transform_indices = #map1}, {transform_indices = #map2}]} {
    %mul3A = arith.constant 16 : i32
    %mul3A_0 = arith.muli %arg0, %mul3A : i32
    %add3A = arith.addi %mul3A_0, %arg1 : i32
    %scan3A = arith.constant 0 : i32
    %scan3A_1 = arith.constant 0 : i32
    %scan3A_2 = arith.constant 8 : i32
    %scan3A_3 = arith.addi %scan3A_1, %scan3A_2 : i32
    %scan3A_4 = arith.constant 1 : i32
    scf.for %scan3A_27 = %scan3A_1 to %scan3A_3 step %scan3A_4  : i32 {
      %mul3A_28 = arith.constant 640 : i32
      %mul3A_29 = arith.muli %arg1, %mul3A_28 : i32
      %mul3A_30 = arith.constant 80 : i32
      %mul3A_31 = arith.muli %scan3A_27, %mul3A_30 : i32
      %add3A_32 = arith.addi %mul3A_29, %mul3A_31 : i32
      "tpu.region"() ({
        %run_scoped3A = tpu.sem_alloc : memref<!tpu.dma_semaphore, #tpu.memory_space<semaphore_mem>>
        %dma_start3A_33 = arith.constant 0 : i32
        %dma_start3A_34 = tpu.memref_slice %arg2[%add3A_32, %dma_start3A_33] : memref<10240x128xf32, #tpu.memory_space<hbm>> -> memref<80x128xf32, #tpu.memory_space<hbm>>
        %dma_start3A_35 = arith.constant 0 : i32
        %dma_start3A_36 = tpu.memref_slice %arg2[%add3A_32, %dma_start3A_35] : memref<10240x128xf32, #tpu.memory_space<hbm>> -> memref<80x128xf32, #tpu.memory_space<hbm>>
        tpu.enqueue_dma source(%dma_start3A_36 : memref<80x128xf32, #tpu.memory_space<hbm>>) target(%arg10 : memref<80x128xf32, #tpu.memory_space<vmem>>) target_semaphore(%run_scoped3A : memref<!tpu.dma_semaphore, #tpu.memory_space<semaphore_mem>>)
        %dma_wait3A_37 = arith.constant 0 : i32
        %dma_wait3A_38 = tpu.memref_slice %arg2[%add3A_32, %dma_wait3A_37] : memref<10240x128xf32, #tpu.memory_space<hbm>> -> memref<80x128xf32, #tpu.memory_space<hbm>>
        %dma_wait3A_39 = arith.constant 0 : i32
        %dma_wait3A_40 = tpu.memref_slice %arg2[%add3A_32, %dma_wait3A_39] : memref<10240x128xf32, #tpu.memory_space<hbm>> -> memref<80x128xf32, #tpu.memory_space<hbm>>
        tpu.wait_dma2 semaphore(%run_scoped3A : memref<!tpu.dma_semaphore, #tpu.memory_space<semaphore_mem>>) src(%dma_wait3A_40 : memref<80x128xf32, #tpu.memory_space<hbm>>) dst(%arg10 : memref<80x128xf32, #tpu.memory_space<vmem>>)
        tpu.yield
      }) : () -> ()
      "tpu.region"() ({
        %run_scoped3A = tpu.sem_alloc : memref<!tpu.dma_semaphore, #tpu.memory_space<semaphore_mem>>
        %dma_start3A_33 = arith.constant 0 : i32
        %dma_start3A_34 = tpu.memref_slice %arg16[%add3A_32, %dma_start3A_33] : memref<10240x128xf32, #tpu.memory_space<vmem_shared>> -> memref<80x128xf32, #tpu.memory_space<vmem_shared>>
        %dma_start3A_35 = arith.constant 0 : i32
        %dma_start3A_36 = tpu.memref_slice %arg16[%add3A_32, %dma_start3A_35] : memref<10240x128xf32, #tpu.memory_space<vmem_shared>> -> memref<80x128xf32, #tpu.memory_space<vmem_shared>>
        tpu.enqueue_dma source(%arg10 : memref<80x128xf32, #tpu.memory_space<vmem>>) target(%dma_start3A_36 : memref<80x128xf32, #tpu.memory_space<vmem_shared>>) target_semaphore(%run_scoped3A : memref<!tpu.dma_semaphore, #tpu.memory_space<semaphore_mem>>)
        %dma_wait3A_37 = arith.constant 0 : i32
        %dma_wait3A_38 = tpu.memref_slice %arg16[%add3A_32, %dma_wait3A_37] : memref<10240x128xf32, #tpu.memory_space<vmem_shared>> -> memref<80x128xf32, #tpu.memory_space<vmem_shared>>
        %dma_wait3A_39 = arith.constant 0 : i32
        %dma_wait3A_40 = tpu.memref_slice %arg16[%add3A_32, %dma_wait3A_39] : memref<10240x128xf32, #tpu.memory_space<vmem_shared>> -> memref<80x128xf32, #tpu.memory_space<vmem_shared>>
        tpu.wait_dma2 semaphore(%run_scoped3A : memref<!tpu.dma_semaphore, #tpu.memory_space<semaphore_mem>>) src(%arg10 : memref<80x128xf32, #tpu.memory_space<vmem>>) dst(%dma_wait3A_40 : memref<80x128xf32, #tpu.memory_space<vmem_shared>>)
        tpu.yield
      }) : () -> ()
    }
    %scan3A_5 = arith.constant 8 : i32
    %barrier3A = arith.constant 0 : index
    tpu.barrier barrier_id(%barrier3A)
    %scan3A_6 = arith.constant 0 : i32
    %scan3A_7 = arith.constant 0 : i32
    %scan3A_8 = arith.constant 62 : i32
    %scan3A_9 = arith.addi %scan3A_7, %scan3A_8 : i32
    %scan3A_10 = arith.constant 1 : i32
    scf.for %scan3A_27 = %scan3A_7 to %scan3A_9 step %scan3A_10  : i32 {
      %mul3A_28 = arith.constant 10000 : i32
      %mul3A_29 = arith.muli %add3A, %mul3A_28 : i32
      %mul3A_30 = arith.constant 2 : i32
      %mul3A_31 = arith.muli %mul3A_30, %scan3A_27 : i32
      %mul3A_32 = arith.constant 80 : i32
      %mul3A_33 = arith.muli %mul3A_31, %mul3A_32 : i32
      %add3A_34 = arith.addi %mul3A_29, %mul3A_33 : i32
      %add3A_35 = arith.constant 80 : i32
      %add3A_36 = arith.addi %add3A_34, %add3A_35 : i32
      %dma_start3A_37 = tpu.memref_slice %arg5[%add3A_34] : memref<320000xi32, #tpu.memory_space<hbm>> -> memref<80xi32, #tpu.memory_space<hbm>>
      %dma_start3A_38 = tpu.memref_slice %arg5[%add3A_34] : memref<320000xi32, #tpu.memory_space<hbm>> -> memref<80xi32, #tpu.memory_space<hbm>>
      tpu.enqueue_dma source(%dma_start3A_38 : memref<80xi32, #tpu.memory_space<hbm>>) target(%arg8 : memref<80xi32, #tpu.memory_space<vmem>>) target_semaphore(%arg17 : memref<!tpu.dma_semaphore, #tpu.memory_space<semaphore_mem>>)
      %dma_start3A_39 = tpu.memref_slice %arg6[%add3A_34] : memref<320000xi32, #tpu.memory_space<hbm>> -> memref<80xi32, #tpu.memory_space<hbm>>
      %dma_start3A_40 = tpu.memref_slice %arg6[%add3A_34] : memref<320000xi32, #tpu.memory_space<hbm>> -> memref<80xi32, #tpu.memory_space<hbm>>
      tpu.enqueue_dma source(%dma_start3A_40 : memref<80xi32, #tpu.memory_space<hbm>>) target(%arg9 : memref<80xi32, #tpu.memory_space<vmem>>) target_semaphore(%arg17 : memref<!tpu.dma_semaphore, #tpu.memory_space<semaphore_mem>>)
      %dma_start3A_41 = tpu.memref_slice %arg5[%add3A_36] : memref<320000xi32, #tpu.memory_space<hbm>> -> memref<80xi32, #tpu.memory_space<hbm>>
      %dma_start3A_42 = tpu.memref_slice %arg5[%add3A_36] : memref<320000xi32, #tpu.memory_space<hbm>> -> memref<80xi32, #tpu.memory_space<hbm>>
      tpu.enqueue_dma source(%dma_start3A_42 : memref<80xi32, #tpu.memory_space<hbm>>) target(%arg12 : memref<80xi32, #tpu.memory_space<vmem>>) target_semaphore(%arg17 : memref<!tpu.dma_semaphore, #tpu.memory_space<semaphore_mem>>)
      %dma_start3A_43 = tpu.memref_slice %arg6[%add3A_36] : memref<320000xi32, #tpu.memory_space<hbm>> -> memref<80xi32, #tpu.memory_space<hbm>>
      %dma_start3A_44 = tpu.memref_slice %arg6[%add3A_36] : memref<320000xi32, #tpu.memory_space<hbm>> -> memref<80xi32, #tpu.memory_space<hbm>>
      tpu.enqueue_dma source(%dma_start3A_44 : memref<80xi32, #tpu.memory_space<hbm>>) target(%arg13 : memref<80xi32, #tpu.memory_space<vmem>>) target_semaphore(%arg17 : memref<!tpu.dma_semaphore, #tpu.memory_space<semaphore_mem>>)
      %dma_start3A_45 = arith.constant 0 : i32
      %dma_start3A_46 = tpu.memref_slice %arg4[%add3A_34, %dma_start3A_45] : memref<320000x128xf32, #tpu.memory_space<hbm>> -> memref<80x128xf32, #tpu.memory_space<hbm>>
      %dma_start3A_47 = arith.constant 0 : i32
      %dma_start3A_48 = tpu.memref_slice %arg4[%add3A_34, %dma_start3A_47] : memref<320000x128xf32, #tpu.memory_space<hbm>> -> memref<80x128xf32, #tpu.memory_space<hbm>>
      tpu.enqueue_dma source(%dma_start3A_48 : memref<80x128xf32, #tpu.memory_space<hbm>>) target(%arg11 : memref<80x128xf32, #tpu.memory_space<vmem>>) target_semaphore(%arg19 : memref<!tpu.dma_semaphore, #tpu.memory_space<semaphore_mem>>)
      %dma_start3A_49 = arith.constant 0 : i32
      %dma_start3A_50 = tpu.memref_slice %arg4[%add3A_36, %dma_start3A_49] : memref<320000x128xf32, #tpu.memory_space<hbm>> -> memref<80x128xf32, #tpu.memory_space<hbm>>
      %dma_start3A_51 = arith.constant 0 : i32
      %dma_start3A_52 = tpu.memref_slice %arg4[%add3A_36, %dma_start3A_51] : memref<320000x128xf32, #tpu.memory_space<hbm>> -> memref<80x128xf32, #tpu.memory_space<hbm>>
      tpu.enqueue_dma source(%dma_start3A_52 : memref<80x128xf32, #tpu.memory_space<hbm>>) target(%arg15 : memref<80x128xf32, #tpu.memory_space<vmem>>) target_semaphore(%arg19 : memref<!tpu.dma_semaphore, #tpu.memory_space<semaphore_mem>>)
      %dma_wait3A_53 = tpu.memref_slice %arg5[%add3A_34] : memref<320000xi32, #tpu.memory_space<hbm>> -> memref<80xi32, #tpu.memory_space<hbm>>
      %dma_wait3A_54 = tpu.memref_slice %arg5[%add3A_34] : memref<320000xi32, #tpu.memory_space<hbm>> -> memref<80xi32, #tpu.memory_space<hbm>>
      tpu.wait_dma2 semaphore(%arg17 : memref<!tpu.dma_semaphore, #tpu.memory_space<semaphore_mem>>) src(%dma_wait3A_54 : memref<80xi32, #tpu.memory_space<hbm>>) dst(%arg8 : memref<80xi32, #tpu.memory_space<vmem>>)
      %dma_wait3A_55 = tpu.memref_slice %arg6[%add3A_34] : memref<320000xi32, #tpu.memory_space<hbm>> -> memref<80xi32, #tpu.memory_space<hbm>>
      %dma_wait3A_56 = tpu.memref_slice %arg6[%add3A_34] : memref<320000xi32, #tpu.memory_space<hbm>> -> memref<80xi32, #tpu.memory_space<hbm>>
      tpu.wait_dma2 semaphore(%arg17 : memref<!tpu.dma_semaphore, #tpu.memory_space<semaphore_mem>>) src(%dma_wait3A_56 : memref<80xi32, #tpu.memory_space<hbm>>) dst(%arg9 : memref<80xi32, #tpu.memory_space<vmem>>)
      %dma_wait3A_57 = tpu.memref_slice %arg5[%add3A_36] : memref<320000xi32, #tpu.memory_space<hbm>> -> memref<80xi32, #tpu.memory_space<hbm>>
      %dma_wait3A_58 = tpu.memref_slice %arg5[%add3A_36] : memref<320000xi32, #tpu.memory_space<hbm>> -> memref<80xi32, #tpu.memory_space<hbm>>
      tpu.wait_dma2 semaphore(%arg17 : memref<!tpu.dma_semaphore, #tpu.memory_space<semaphore_mem>>) src(%dma_wait3A_58 : memref<80xi32, #tpu.memory_space<hbm>>) dst(%arg12 : memref<80xi32, #tpu.memory_space<vmem>>)
      %dma_wait3A_59 = tpu.memref_slice %arg6[%add3A_36] : memref<320000xi32, #tpu.memory_space<hbm>> -> memref<80xi32, #tpu.memory_space<hbm>>
      %dma_wait3A_60 = tpu.memref_slice %arg6[%add3A_36] : memref<320000xi32, #tpu.memory_space<hbm>> -> memref<80xi32, #tpu.memory_space<hbm>>
      tpu.wait_dma2 semaphore(%arg17 : memref<!tpu.dma_semaphore, #tpu.memory_space<semaphore_mem>>) src(%dma_wait3A_60 : memref<80xi32, #tpu.memory_space<hbm>>) dst(%arg13 : memref<80xi32, #tpu.memory_space<vmem>>)
      %dma_start3A_61 = arith.constant 0 : i32
      %dma_start3A_62 = arith.constant 0 : i32
      %dma_start3A_63 = tpu.memref_slice %arg3[%dma_start3A_61, %dma_start3A_62] : memref<10000x128xf32, #tpu.memory_space<hbm>> -> memref<10000x128xf32, #tpu.memory_space<hbm>>
      tpu.enqueue_indirect_dma source(%dma_start3A_63 : memref<10000x128xf32, #tpu.memory_space<hbm>>) target(%arg10 : memref<80x128xf32, #tpu.memory_space<vmem>>) offsets(%arg8 : memref<80xi32, #tpu.memory_space<vmem>>) semaphore(%arg18 : memref<!tpu.dma_semaphore, #tpu.memory_space<semaphore_mem>>)
      %dma_start3A_64 = arith.constant 0 : i32
      %dma_start3A_65 = arith.constant 0 : i32
      %dma_start3A_66 = tpu.memref_slice %arg3[%dma_start3A_64, %dma_start3A_65] : memref<10000x128xf32, #tpu.memory_space<hbm>> -> memref<10000x128xf32, #tpu.memory_space<hbm>>
      tpu.enqueue_indirect_dma source(%dma_start3A_66 : memref<10000x128xf32, #tpu.memory_space<hbm>>) target(%arg14 : memref<80x128xf32, #tpu.memory_space<vmem>>) offsets(%arg12 : memref<80xi32, #tpu.memory_space<vmem>>) semaphore(%arg18 : memref<!tpu.dma_semaphore, #tpu.memory_space<semaphore_mem>>)
      %dma_wait3A_67 = arith.constant 0 : i32
      %dma_wait3A_68 = arith.constant 0 : i32
      %dma_wait3A_69 = tpu.memref_slice %arg3[%dma_wait3A_67, %dma_wait3A_68] : memref<10000x128xf32, #tpu.memory_space<hbm>> -> memref<10000x128xf32, #tpu.memory_space<hbm>>
      tpu.wait_indirect_dma semaphore(%arg18 : memref<!tpu.dma_semaphore, #tpu.memory_space<semaphore_mem>>) src(%dma_wait3A_69 : memref<10000x128xf32, #tpu.memory_space<hbm>>) dst(%arg10 : memref<80x128xf32, #tpu.memory_space<vmem>>)
      %dma_wait3A_70 = arith.constant 0 : i32
      %dma_wait3A_71 = arith.constant 0 : i32
      %dma_wait3A_72 = tpu.memref_slice %arg3[%dma_wait3A_70, %dma_wait3A_71] : memref<10000x128xf32, #tpu.memory_space<hbm>> -> memref<10000x128xf32, #tpu.memory_space<hbm>>
      tpu.wait_indirect_dma semaphore(%arg18 : memref<!tpu.dma_semaphore, #tpu.memory_space<semaphore_mem>>) src(%dma_wait3A_72 : memref<10000x128xf32, #tpu.memory_space<hbm>>) dst(%arg14 : memref<80x128xf32, #tpu.memory_space<vmem>>)
      %dma_wait3A_73 = arith.constant 0 : i32
      %dma_wait3A_74 = tpu.memref_slice %arg4[%add3A_34, %dma_wait3A_73] : memref<320000x128xf32, #tpu.memory_space<hbm>> -> memref<80x128xf32, #tpu.memory_space<hbm>>
      %dma_wait3A_75 = arith.constant 0 : i32
      %dma_wait3A_76 = tpu.memref_slice %arg4[%add3A_34, %dma_wait3A_75] : memref<320000x128xf32, #tpu.memory_space<hbm>> -> memref<80x128xf32, #tpu.memory_space<hbm>>
      tpu.wait_dma2 semaphore(%arg19 : memref<!tpu.dma_semaphore, #tpu.memory_space<semaphore_mem>>) src(%dma_wait3A_76 : memref<80x128xf32, #tpu.memory_space<hbm>>) dst(%arg11 : memref<80x128xf32, #tpu.memory_space<vmem>>)
      %dma_wait3A_77 = arith.constant 0 : i32
      %dma_wait3A_78 = tpu.memref_slice %arg4[%add3A_36, %dma_wait3A_77] : memref<320000x128xf32, #tpu.memory_space<hbm>> -> memref<80x128xf32, #tpu.memory_space<hbm>>
      %dma_wait3A_79 = arith.constant 0 : i32
      %dma_wait3A_80 = tpu.memref_slice %arg4[%add3A_36, %dma_wait3A_79] : memref<320000x128xf32, #tpu.memory_space<hbm>> -> memref<80x128xf32, #tpu.memory_space<hbm>>
      tpu.wait_dma2 semaphore(%arg19 : memref<!tpu.dma_semaphore, #tpu.memory_space<semaphore_mem>>) src(%dma_wait3A_80 : memref<80x128xf32, #tpu.memory_space<hbm>>) dst(%arg15 : memref<80x128xf32, #tpu.memory_space<vmem>>)
      "tpu.region"() ({
        %run_scoped3A = tpu.sem_alloc : memref<!tpu.dma_semaphore, #tpu.memory_space<semaphore_mem>>
        %dma_start3A_81 = arith.constant 0 : i32
        %dma_start3A_82 = arith.constant 0 : i32
        %dma_start3A_83 = tpu.memref_slice %arg16[%dma_start3A_81, %dma_start3A_82] : memref<10240x128xf32, #tpu.memory_space<vmem_shared>> -> memref<10240x128xf32, #tpu.memory_space<vmem_shared>>
        tpu.enqueue_indirect_dma source(%arg10 : memref<80x128xf32, #tpu.memory_space<vmem>>) target(%dma_start3A_83 : memref<10240x128xf32, #tpu.memory_space<vmem_shared>>) offsets(%arg9 : memref<80xi32, #tpu.memory_space<vmem>>) semaphore(%run_scoped3A : memref<!tpu.dma_semaphore, #tpu.memory_space<semaphore_mem>>) {add = true}
        %dma_wait3A_84 = arith.constant 0 : i32
        %dma_wait3A_85 = arith.constant 0 : i32
        %dma_wait3A_86 = tpu.memref_slice %arg16[%dma_wait3A_84, %dma_wait3A_85] : memref<10240x128xf32, #tpu.memory_space<vmem_shared>> -> memref<10240x128xf32, #tpu.memory_space<vmem_shared>>
        tpu.wait_indirect_dma semaphore(%run_scoped3A : memref<!tpu.dma_semaphore, #tpu.memory_space<semaphore_mem>>) src(%arg10 : memref<80x128xf32, #tpu.memory_space<vmem>>) dst(%dma_wait3A_86 : memref<10240x128xf32, #tpu.memory_space<vmem_shared>>)
        tpu.yield
      }) : () -> ()
      "tpu.region"() ({
        %run_scoped3A = tpu.sem_alloc : memref<!tpu.dma_semaphore, #tpu.memory_space<semaphore_mem>>
        %dma_start3A_81 = arith.constant 0 : i32
        %dma_start3A_82 = arith.constant 0 : i32
        %dma_start3A_83 = tpu.memref_slice %arg16[%dma_start3A_81, %dma_start3A_82] : memref<10240x128xf32, #tpu.memory_space<vmem_shared>> -> memref<10240x128xf32, #tpu.memory_space<vmem_shared>>
        tpu.enqueue_indirect_dma source(%arg11 : memref<80x128xf32, #tpu.memory_space<vmem>>) target(%dma_start3A_83 : memref<10240x128xf32, #tpu.memory_space<vmem_shared>>) offsets(%arg9 : memref<80xi32, #tpu.memory_space<vmem>>) semaphore(%run_scoped3A : memref<!tpu.dma_semaphore, #tpu.memory_space<semaphore_mem>>) {add = true}
        %dma_wait3A_84 = arith.constant 0 : i32
        %dma_wait3A_85 = arith.constant 0 : i32
        %dma_wait3A_86 = tpu.memref_slice %arg16[%dma_wait3A_84, %dma_wait3A_85] : memref<10240x128xf32, #tpu.memory_space<vmem_shared>> -> memref<10240x128xf32, #tpu.memory_space<vmem_shared>>
        tpu.wait_indirect_dma semaphore(%run_scoped3A : memref<!tpu.dma_semaphore, #tpu.memory_space<semaphore_mem>>) src(%arg11 : memref<80x128xf32, #tpu.memory_space<vmem>>) dst(%dma_wait3A_86 : memref<10240x128xf32, #tpu.memory_space<vmem_shared>>)
        tpu.yield
      }) : () -> ()
      "tpu.region"() ({
        %run_scoped3A = tpu.sem_alloc : memref<!tpu.dma_semaphore, #tpu.memory_space<semaphore_mem>>
        %dma_start3A_81 = arith.constant 0 : i32
        %dma_start3A_82 = arith.constant 0 : i32
        %dma_start3A_83 = tpu.memref_slice %arg16[%dma_start3A_81, %dma_start3A_82] : memref<10240x128xf32, #tpu.memory_space<vmem_shared>> -> memref<10240x128xf32, #tpu.memory_space<vmem_shared>>
        tpu.enqueue_indirect_dma source(%arg14 : memref<80x128xf32, #tpu.memory_space<vmem>>) target(%dma_start3A_83 : memref<10240x128xf32, #tpu.memory_space<vmem_shared>>) offsets(%arg13 : memref<80xi32, #tpu.memory_space<vmem>>) semaphore(%run_scoped3A : memref<!tpu.dma_semaphore, #tpu.memory_space<semaphore_mem>>) {add = true}
        %dma_wait3A_84 = arith.constant 0 : i32
        %dma_wait3A_85 = arith.constant 0 : i32
        %dma_wait3A_86 = tpu.memref_slice %arg16[%dma_wait3A_84, %dma_wait3A_85] : memref<10240x128xf32, #tpu.memory_space<vmem_shared>> -> memref<10240x128xf32, #tpu.memory_space<vmem_shared>>
        tpu.wait_indirect_dma semaphore(%run_scoped3A : memref<!tpu.dma_semaphore, #tpu.memory_space<semaphore_mem>>) src(%arg14 : memref<80x128xf32, #tpu.memory_space<vmem>>) dst(%dma_wait3A_86 : memref<10240x128xf32, #tpu.memory_space<vmem_shared>>)
        tpu.yield
      }) : () -> ()
      "tpu.region"() ({
        %run_scoped3A = tpu.sem_alloc : memref<!tpu.dma_semaphore, #tpu.memory_space<semaphore_mem>>
        %dma_start3A_81 = arith.constant 0 : i32
        %dma_start3A_82 = arith.constant 0 : i32
        %dma_start3A_83 = tpu.memref_slice %arg16[%dma_start3A_81, %dma_start3A_82] : memref<10240x128xf32, #tpu.memory_space<vmem_shared>> -> memref<10240x128xf32, #tpu.memory_space<vmem_shared>>
        tpu.enqueue_indirect_dma source(%arg15 : memref<80x128xf32, #tpu.memory_space<vmem>>) target(%dma_start3A_83 : memref<10240x128xf32, #tpu.memory_space<vmem_shared>>) offsets(%arg13 : memref<80xi32, #tpu.memory_space<vmem>>) semaphore(%run_scoped3A : memref<!tpu.dma_semaphore, #tpu.memory_space<semaphore_mem>>) {add = true}
        %dma_wait3A_84 = arith.constant 0 : i32
        %dma_wait3A_85 = arith.constant 0 : i32
        %dma_wait3A_86 = tpu.memref_slice %arg16[%dma_wait3A_84, %dma_wait3A_85] : memref<10240x128xf32, #tpu.memory_space<vmem_shared>> -> memref<10240x128xf32, #tpu.memory_space<vmem_shared>>
        tpu.wait_indirect_dma semaphore(%run_scoped3A : memref<!tpu.dma_semaphore, #tpu.memory_space<semaphore_mem>>) src(%arg15 : memref<80x128xf32, #tpu.memory_space<vmem>>) dst(%dma_wait3A_86 : memref<10240x128xf32, #tpu.memory_space<vmem_shared>>)
        tpu.yield
      }) : () -> ()
    }
    %scan3A_11 = arith.constant 62 : i32
    %mul3A_12 = arith.constant 10000 : i32
    %mul3A_13 = arith.muli %add3A, %mul3A_12 : i32
    %add3A_14 = arith.constant 9920 : i32
    %add3A_15 = arith.addi %mul3A_13, %add3A_14 : i32
    "tpu.region"() ({
      %run_scoped3A = tpu.sem_alloc : memref<!tpu.dma_semaphore, #tpu.memory_space<semaphore_mem>>
      %dma_start3A_27 = tpu.memref_slice %arg5[%add3A_15] : memref<320000xi32, #tpu.memory_space<hbm>> -> memref<80xi32, #tpu.memory_space<hbm>>
      %dma_start3A_28 = tpu.memref_slice %arg5[%add3A_15] : memref<320000xi32, #tpu.memory_space<hbm>> -> memref<80xi32, #tpu.memory_space<hbm>>
      tpu.enqueue_dma source(%dma_start3A_28 : memref<80xi32, #tpu.memory_space<hbm>>) target(%arg8 : memref<80xi32, #tpu.memory_space<vmem>>) target_semaphore(%run_scoped3A : memref<!tpu.dma_semaphore, #tpu.memory_space<semaphore_mem>>)
      %dma_wait3A_29 = tpu.memref_slice %arg5[%add3A_15] : memref<320000xi32, #tpu.memory_space<hbm>> -> memref<80xi32, #tpu.memory_space<hbm>>
      %dma_wait3A_30 = tpu.memref_slice %arg5[%add3A_15] : memref<320000xi32, #tpu.memory_space<hbm>> -> memref<80xi32, #tpu.memory_space<hbm>>
      tpu.wait_dma2 semaphore(%run_scoped3A : memref<!tpu.dma_semaphore, #tpu.memory_space<semaphore_mem>>) src(%dma_wait3A_30 : memref<80xi32, #tpu.memory_space<hbm>>) dst(%arg8 : memref<80xi32, #tpu.memory_space<vmem>>)
      tpu.yield
    }) : () -> ()
    "tpu.region"() ({
      %run_scoped3A = tpu.sem_alloc : memref<!tpu.dma_semaphore, #tpu.memory_space<semaphore_mem>>
      %dma_start3A_27 = tpu.memref_slice %arg6[%add3A_15] : memref<320000xi32, #tpu.memory_space<hbm>> -> memref<80xi32, #tpu.memory_space<hbm>>
      %dma_start3A_28 = tpu.memref_slice %arg6[%add3A_15] : memref<320000xi32, #tpu.memory_space<hbm>> -> memref<80xi32, #tpu.memory_space<hbm>>
      tpu.enqueue_dma source(%dma_start3A_28 : memref<80xi32, #tpu.memory_space<hbm>>) target(%arg9 : memref<80xi32, #tpu.memory_space<vmem>>) target_semaphore(%run_scoped3A : memref<!tpu.dma_semaphore, #tpu.memory_space<semaphore_mem>>)
      %dma_wait3A_29 = tpu.memref_slice %arg6[%add3A_15] : memref<320000xi32, #tpu.memory_space<hbm>> -> memref<80xi32, #tpu.memory_space<hbm>>
      %dma_wait3A_30 = tpu.memref_slice %arg6[%add3A_15] : memref<320000xi32, #tpu.memory_space<hbm>> -> memref<80xi32, #tpu.memory_space<hbm>>
      tpu.wait_dma2 semaphore(%run_scoped3A : memref<!tpu.dma_semaphore, #tpu.memory_space<semaphore_mem>>) src(%dma_wait3A_30 : memref<80xi32, #tpu.memory_space<hbm>>) dst(%arg9 : memref<80xi32, #tpu.memory_space<vmem>>)
      tpu.yield
    }) : () -> ()
    %dma_start3A = arith.constant 0 : i32
    %dma_start3A_16 = arith.constant 0 : i32
    %dma_start3A_17 = tpu.memref_slice %arg3[%dma_start3A, %dma_start3A_16] : memref<10000x128xf32, #tpu.memory_space<hbm>> -> memref<10000x128xf32, #tpu.memory_space<hbm>>
    tpu.enqueue_indirect_dma source(%dma_start3A_17 : memref<10000x128xf32, #tpu.memory_space<hbm>>) target(%arg10 : memref<80x128xf32, #tpu.memory_space<vmem>>) offsets(%arg8 : memref<80xi32, #tpu.memory_space<vmem>>) semaphore(%arg18 : memref<!tpu.dma_semaphore, #tpu.memory_space<semaphore_mem>>)
    %dma_wait3A = arith.constant 0 : i32
    %dma_wait3A_18 = arith.constant 0 : i32
    %dma_wait3A_19 = tpu.memref_slice %arg3[%dma_wait3A, %dma_wait3A_18] : memref<10000x128xf32, #tpu.memory_space<hbm>> -> memref<10000x128xf32, #tpu.memory_space<hbm>>
    tpu.wait_indirect_dma semaphore(%arg18 : memref<!tpu.dma_semaphore, #tpu.memory_space<semaphore_mem>>) src(%dma_wait3A_19 : memref<10000x128xf32, #tpu.memory_space<hbm>>) dst(%arg10 : memref<80x128xf32, #tpu.memory_space<vmem>>)
    "tpu.region"() ({
      %run_scoped3A = tpu.sem_alloc : memref<!tpu.dma_semaphore, #tpu.memory_space<semaphore_mem>>
      %dma_start3A_27 = arith.constant 0 : i32
      %dma_start3A_28 = tpu.memref_slice %arg4[%add3A_15, %dma_start3A_27] : memref<320000x128xf32, #tpu.memory_space<hbm>> -> memref<80x128xf32, #tpu.memory_space<hbm>>
      %dma_start3A_29 = arith.constant 0 : i32
      %dma_start3A_30 = tpu.memref_slice %arg4[%add3A_15, %dma_start3A_29] : memref<320000x128xf32, #tpu.memory_space<hbm>> -> memref<80x128xf32, #tpu.memory_space<hbm>>
      tpu.enqueue_dma source(%dma_start3A_30 : memref<80x128xf32, #tpu.memory_space<hbm>>) target(%arg11 : memref<80x128xf32, #tpu.memory_space<vmem>>) target_semaphore(%run_scoped3A : memref<!tpu.dma_semaphore, #tpu.memory_space<semaphore_mem>>)
      %dma_wait3A_31 = arith.constant 0 : i32
      %dma_wait3A_32 = tpu.memref_slice %arg4[%add3A_15, %dma_wait3A_31] : memref<320000x128xf32, #tpu.memory_space<hbm>> -> memref<80x128xf32, #tpu.memory_space<hbm>>
      %dma_wait3A_33 = arith.constant 0 : i32
      %dma_wait3A_34 = tpu.memref_slice %arg4[%add3A_15, %dma_wait3A_33] : memref<320000x128xf32, #tpu.memory_space<hbm>> -> memref<80x128xf32, #tpu.memory_space<hbm>>
      tpu.wait_dma2 semaphore(%run_scoped3A : memref<!tpu.dma_semaphore, #tpu.memory_space<semaphore_mem>>) src(%dma_wait3A_34 : memref<80x128xf32, #tpu.memory_space<hbm>>) dst(%arg11 : memref<80x128xf32, #tpu.memory_space<vmem>>)
      tpu.yield
    }) : () -> ()
    "tpu.region"() ({
      %run_scoped3A = tpu.sem_alloc : memref<!tpu.dma_semaphore, #tpu.memory_space<semaphore_mem>>
      %dma_start3A_27 = arith.constant 0 : i32
      %dma_start3A_28 = arith.constant 0 : i32
      %dma_start3A_29 = tpu.memref_slice %arg16[%dma_start3A_27, %dma_start3A_28] : memref<10240x128xf32, #tpu.memory_space<vmem_shared>> -> memref<10240x128xf32, #tpu.memory_space<vmem_shared>>
      tpu.enqueue_indirect_dma source(%arg10 : memref<80x128xf32, #tpu.memory_space<vmem>>) target(%dma_start3A_29 : memref<10240x128xf32, #tpu.memory_space<vmem_shared>>) offsets(%arg9 : memref<80xi32, #tpu.memory_space<vmem>>) semaphore(%run_scoped3A : memref<!tpu.dma_semaphore, #tpu.memory_space<semaphore_mem>>) {add = true}
      %dma_wait3A_30 = arith.constant 0 : i32
      %dma_wait3A_31 = arith.constant 0 : i32
      %dma_wait3A_32 = tpu.memref_slice %arg16[%dma_wait3A_30, %dma_wait3A_31] : memref<10240x128xf32, #tpu.memory_space<vmem_shared>> -> memref<10240x128xf32, #tpu.memory_space<vmem_shared>>
      tpu.wait_indirect_dma semaphore(%run_scoped3A : memref<!tpu.dma_semaphore, #tpu.memory_space<semaphore_mem>>) src(%arg10 : memref<80x128xf32, #tpu.memory_space<vmem>>) dst(%dma_wait3A_32 : memref<10240x128xf32, #tpu.memory_space<vmem_shared>>)
      tpu.yield
    }) : () -> ()
    "tpu.region"() ({
      %run_scoped3A = tpu.sem_alloc : memref<!tpu.dma_semaphore, #tpu.memory_space<semaphore_mem>>
      %dma_start3A_27 = arith.constant 0 : i32
      %dma_start3A_28 = arith.constant 0 : i32
      %dma_start3A_29 = tpu.memref_slice %arg16[%dma_start3A_27, %dma_start3A_28] : memref<10240x128xf32, #tpu.memory_space<vmem_shared>> -> memref<10240x128xf32, #tpu.memory_space<vmem_shared>>
      tpu.enqueue_indirect_dma source(%arg11 : memref<80x128xf32, #tpu.memory_space<vmem>>) target(%dma_start3A_29 : memref<10240x128xf32, #tpu.memory_space<vmem_shared>>) offsets(%arg9 : memref<80xi32, #tpu.memory_space<vmem>>) semaphore(%run_scoped3A : memref<!tpu.dma_semaphore, #tpu.memory_space<semaphore_mem>>) {add = true}
      %dma_wait3A_30 = arith.constant 0 : i32
      %dma_wait3A_31 = arith.constant 0 : i32
      %dma_wait3A_32 = tpu.memref_slice %arg16[%dma_wait3A_30, %dma_wait3A_31] : memref<10240x128xf32, #tpu.memory_space<vmem_shared>> -> memref<10240x128xf32, #tpu.memory_space<vmem_shared>>
      tpu.wait_indirect_dma semaphore(%run_scoped3A : memref<!tpu.dma_semaphore, #tpu.memory_space<semaphore_mem>>) src(%arg11 : memref<80x128xf32, #tpu.memory_space<vmem>>) dst(%dma_wait3A_32 : memref<10240x128xf32, #tpu.memory_space<vmem_shared>>)
      tpu.yield
    }) : () -> ()
    %barrier3A_20 = arith.constant 0 : index
    tpu.barrier barrier_id(%barrier3A_20)
    %scan3A_21 = arith.constant 0 : i32
    %scan3A_22 = arith.constant 0 : i32
    %scan3A_23 = arith.constant 8 : i32
    %scan3A_24 = arith.addi %scan3A_22, %scan3A_23 : i32
    %scan3A_25 = arith.constant 1 : i32
    scf.for %scan3A_27 = %scan3A_22 to %scan3A_24 step %scan3A_25  : i32 {
      %mul3A_28 = arith.constant 640 : i32
      %mul3A_29 = arith.muli %arg1, %mul3A_28 : i32
      %mul3A_30 = arith.constant 80 : i32
      %mul3A_31 = arith.muli %scan3A_27, %mul3A_30 : i32
      %add3A_32 = arith.addi %mul3A_29, %mul3A_31 : i32
      "tpu.region"() ({
        %run_scoped3A = tpu.sem_alloc : memref<!tpu.dma_semaphore, #tpu.memory_space<semaphore_mem>>
        %dma_start3A_33 = arith.constant 0 : i32
        %dma_start3A_34 = tpu.memref_slice %arg16[%add3A_32, %dma_start3A_33] : memref<10240x128xf32, #tpu.memory_space<vmem_shared>> -> memref<80x128xf32, #tpu.memory_space<vmem_shared>>
        %dma_start3A_35 = arith.constant 0 : i32
        %dma_start3A_36 = tpu.memref_slice %arg16[%add3A_32, %dma_start3A_35] : memref<10240x128xf32, #tpu.memory_space<vmem_shared>> -> memref<80x128xf32, #tpu.memory_space<vmem_shared>>
        tpu.enqueue_dma source(%dma_start3A_36 : memref<80x128xf32, #tpu.memory_space<vmem_shared>>) target(%arg10 : memref<80x128xf32, #tpu.memory_space<vmem>>) target_semaphore(%run_scoped3A : memref<!tpu.dma_semaphore, #tpu.memory_space<semaphore_mem>>)
        %dma_wait3A_37 = arith.constant 0 : i32
        %dma_wait3A_38 = tpu.memref_slice %arg16[%add3A_32, %dma_wait3A_37] : memref<10240x128xf32, #tpu.memory_space<vmem_shared>> -> memref<80x128xf32, #tpu.memory_space<vmem_shared>>
        %dma_wait3A_39 = arith.constant 0 : i32
        %dma_wait3A_40 = tpu.memref_slice %arg16[%add3A_32, %dma_wait3A_39] : memref<10240x128xf32, #tpu.memory_space<vmem_shared>> -> memref<80x128xf32, #tpu.memory_space<vmem_shared>>
        tpu.wait_dma2 semaphore(%run_scoped3A : memref<!tpu.dma_semaphore, #tpu.memory_space<semaphore_mem>>) src(%dma_wait3A_40 : memref<80x128xf32, #tpu.memory_space<vmem_shared>>) dst(%arg10 : memref<80x128xf32, #tpu.memory_space<vmem>>)
        tpu.yield
      }) : () -> ()
      "tpu.region"() ({
        %run_scoped3A = tpu.sem_alloc : memref<!tpu.dma_semaphore, #tpu.memory_space<semaphore_mem>>
        %dma_start3A_33 = arith.constant 0 : i32
        %dma_start3A_34 = tpu.memref_slice %arg7[%arg0, %add3A_32, %dma_start3A_33] : memref<2x10240x128xf32, #tpu.memory_space<hbm>> -> memref<1x80x128xf32, #tpu.memory_space<hbm>>
        %dma_start3A_35 = tpu.memref_squeeze %dma_start3A_34 : memref<1x80x128xf32, #tpu.memory_space<hbm>> -> memref<80x128xf32, #tpu.memory_space<hbm>>
        %dma_start3A_36 = arith.constant 0 : i32
        %dma_start3A_37 = tpu.memref_slice %arg7[%arg0, %add3A_32, %dma_start3A_36] : memref<2x10240x128xf32, #tpu.memory_space<hbm>> -> memref<1x80x128xf32, #tpu.memory_space<hbm>>
        %dma_start3A_38 = tpu.memref_squeeze %dma_start3A_37 : memref<1x80x128xf32, #tpu.memory_space<hbm>> -> memref<80x128xf32, #tpu.memory_space<hbm>>
        tpu.enqueue_dma source(%arg10 : memref<80x128xf32, #tpu.memory_space<vmem>>) target(%dma_start3A_38 : memref<80x128xf32, #tpu.memory_space<hbm>>) target_semaphore(%run_scoped3A : memref<!tpu.dma_semaphore, #tpu.memory_space<semaphore_mem>>)
        %dma_wait3A_39 = arith.constant 0 : i32
        %dma_wait3A_40 = tpu.memref_slice %arg7[%arg0, %add3A_32, %dma_wait3A_39] : memref<2x10240x128xf32, #tpu.memory_space<hbm>> -> memref<1x80x128xf32, #tpu.memory_space<hbm>>
        %dma_wait3A_41 = tpu.memref_squeeze %dma_wait3A_40 : memref<1x80x128xf32, #tpu.memory_space<hbm>> -> memref<80x128xf32, #tpu.memory_space<hbm>>
        %dma_wait3A_42 = arith.constant 0 : i32
        %dma_wait3A_43 = tpu.memref_slice %arg7[%arg0, %add3A_32, %dma_wait3A_42] : memref<2x10240x128xf32, #tpu.memory_space<hbm>> -> memref<1x80x128xf32, #tpu.memory_space<hbm>>
        %dma_wait3A_44 = tpu.memref_squeeze %dma_wait3A_43 : memref<1x80x128xf32, #tpu.memory_space<hbm>> -> memref<80x128xf32, #tpu.memory_space<hbm>>
        tpu.wait_dma2 semaphore(%run_scoped3A : memref<!tpu.dma_semaphore, #tpu.memory_space<semaphore_mem>>) src(%arg10 : memref<80x128xf32, #tpu.memory_space<vmem>>) dst(%dma_wait3A_44 : memref<80x128xf32, #tpu.memory_space<hbm>>)
        tpu.yield
      }) : () -> ()
    }
    %scan3A_26 = arith.constant 8 : i32
    return
  }
}

module attributes {stable_mosaic.version = 14 : i64} {
  func.func @_mm_body(%arg0: i32, %arg1: memref<4000x16xf32, #tpu.memory_space<vmem>>, %arg2: memref<16x128xf32, #tpu.memory_space<vmem>>, %arg3: memref<4000x128xf32, #tpu.memory_space<vmem>>) attributes {dimension_semantics = [#tpu.dimension_semantics<arbitrary>], iteration_bounds = array<i64: 80>, scalar_prefetch = 0 : i64, scratch_operands = 0 : i64, tpu.core_type = #tpu.core_type<tc>, window_params = [{transform_indices = @transform_0, window_bounds = array<i64: 4000, 16>}, {pipeline_mode = #tpu.pipeline_mode<synchronous>, transform_indices = @transform_1, window_bounds = array<i64: 16, 128>}, {transform_indices = @transform_2, window_bounds = array<i64: 4000, 128>}]} {
    %get3A = arith.constant 0 : index
    %get3A_0 = arith.constant 0 : index
    %get3A_1 = vector.load %arg1[%get3A, %get3A_0] : memref<4000x16xf32, #tpu.memory_space<vmem>>, vector<4000x16xf32>
    %get3A_2 = arith.constant 0 : index
    %get3A_3 = arith.constant 0 : index
    %get3A_4 = vector.load %arg2[%get3A_2, %get3A_3] : memref<16x128xf32, #tpu.memory_space<vmem>>, vector<16x128xf32>
    %dot_general3A = arith.constant dense<0.000000e+00> : vector<4000x128xf32>
    %dot_general3A_5 = tpu.matmul %get3A_1, %get3A_4, %dot_general3A {dimension_numbers = #tpu.dot_dimension_numbers<[1], [0], [0], [1], [0, 0, 1, 1], [], []>, transpose_lhs_hint = false} : vector<4000x16xf32>, vector<16x128xf32>, vector<4000x128xf32> -> vector<4000x128xf32>
    %swap3A = arith.constant 0 : index
    %swap3A_6 = arith.constant 0 : index
    %swap3A_7 = vector.load %arg3[%swap3A, %swap3A_6] : memref<4000x128xf32, #tpu.memory_space<vmem>>, vector<4000x128xf32>
    tpu.vector_store %arg3[%swap3A, %swap3A_6], %dot_general3A_5 {strides = array<i32>} : memref<4000x128xf32, #tpu.memory_space<vmem>>, vector<4000x128xf32>,
    return
  }
  func.func @transform_0(%arg0: i32) -> (i32, i32) {
    %c0_i32 = arith.constant 0 : i32
    %c0_i32_0 = arith.constant 0 : i32
    return %arg0, %c0_i32 : i32, i32
  }
  func.func @transform_1(%arg0: i32) -> (i32, i32) {
    %c0_i32 = arith.constant 0 : i32
    %c0_i32_0 = arith.constant 0 : i32
    %c0_i32_1 = arith.constant 0 : i32
    return %c0_i32, %c0_i32_0 : i32, i32
  }
  func.func @transform_2(%arg0: i32) -> (i32, i32) {
    %c0_i32 = arith.constant 0 : i32
    %c0_i32_0 = arith.constant 0 : i32
    return %arg0, %c0_i32 : i32, i32
  }
}

module attributes {stable_mosaic.version = 14 : i64} {
  func.func @_mm_body(%arg0: i32, %arg1: memref<1000x128xf32, #tpu.memory_space<vmem>>, %arg2: memref<128x128xf32, #tpu.memory_space<vmem>>, %arg3: memref<1000x128xf32, #tpu.memory_space<vmem>>) attributes {dimension_semantics = [#tpu.dimension_semantics<arbitrary>], iteration_bounds = array<i64: 10>, scalar_prefetch = 0 : i64, scratch_operands = 0 : i64, tpu.core_type = #tpu.core_type<tc>, window_params = [{transform_indices = @transform_0, window_bounds = array<i64: 1000, 128>}, {pipeline_mode = #tpu.pipeline_mode<synchronous>, transform_indices = @transform_1, window_bounds = array<i64: 128, 128>}, {transform_indices = @transform_2, window_bounds = array<i64: 1000, 128>}]} {
    %get3A = arith.constant 0 : index
    %get3A_0 = arith.constant 0 : index
    %get3A_1 = vector.load %arg1[%get3A, %get3A_0] : memref<1000x128xf32, #tpu.memory_space<vmem>>, vector<1000x128xf32>
    %get3A_2 = arith.constant 0 : index
    %get3A_3 = arith.constant 0 : index
    %get3A_4 = vector.load %arg2[%get3A_2, %get3A_3] : memref<128x128xf32, #tpu.memory_space<vmem>>, vector<128x128xf32>
    %dot_general3A = arith.constant dense<0.000000e+00> : vector<1000x128xf32>
    %dot_general3A_5 = tpu.matmul %get3A_1, %get3A_4, %dot_general3A {dimension_numbers = #tpu.dot_dimension_numbers<[1], [0], [0], [1], [0, 0, 1, 1], [], []>, transpose_lhs_hint = false} : vector<1000x128xf32>, vector<128x128xf32>, vector<1000x128xf32> -> vector<1000x128xf32>
    %swap3A = arith.constant 0 : index
    %swap3A_6 = arith.constant 0 : index
    %swap3A_7 = vector.load %arg3[%swap3A, %swap3A_6] : memref<1000x128xf32, #tpu.memory_space<vmem>>, vector<1000x128xf32>
    tpu.vector_store %arg3[%swap3A, %swap3A_6], %dot_general3A_5 {strides = array<i32>} : memref<1000x128xf32, #tpu.memory_space<vmem>>, vector<1000x128xf32>,
    return
  }
  func.func @transform_0(%arg0: i32) -> (i32, i32) {
    %c0_i32 = arith.constant 0 : i32
    %c0_i32_0 = arith.constant 0 : i32
    return %arg0, %c0_i32 : i32, i32
  }
  func.func @transform_1(%arg0: i32) -> (i32, i32) {
    %c0_i32 = arith.constant 0 : i32
    %c0_i32_0 = arith.constant 0 : i32
    %c0_i32_1 = arith.constant 0 : i32
    return %c0_i32, %c0_i32_0 : i32, i32
  }
  func.func @transform_2(%arg0: i32) -> (i32, i32) {
    %c0_i32 = arith.constant 0 : i32
    %c0_i32_0 = arith.constant 0 : i32
    return %arg0, %c0_i32 : i32, i32
  }
}

module attributes {stable_mosaic.version = 14 : i64} {
  func.func @_tc_body(%arg0: i32, %arg1: memref<1000x128xf32, #tpu.memory_space<vmem>>, %arg2: memref<2x1000x128xf32, #tpu.memory_space<vmem>>, %arg3: memref<1x1x1000xi32, #tpu.memory_space<vmem>>, %arg4: memref<128x128xf32, #tpu.memory_space<vmem>>, %arg5: memref<1x128xf32, #tpu.memory_space<vmem>>, %arg6: memref<128x1xf32, #tpu.memory_space<vmem>>, %arg7: memref<1x1xf32, #tpu.memory_space<vmem>>, %arg8: memref<64x1xf32, #tpu.memory_space<vmem>>, %arg9: memref<64x128xf32, #tpu.memory_space<vmem>>, %arg10: memref<64x1xf32, #tpu.memory_space<vmem>>) attributes {dimension_semantics = [#tpu.dimension_semantics<arbitrary>], iteration_bounds = array<i64: 10>, scalar_prefetch = 0 : i64, scratch_operands = 2 : i64, tpu.core_type = #tpu.core_type<tc>, window_params = [{transform_indices = @transform_0, window_bounds = array<i64: 1000, 128>}, {transform_indices = @transform_1, window_bounds = array<i64: 2, 1000, 128>}, {transform_indices = @transform_2, window_bounds = array<i64: 1, 1, 1000>}, {pipeline_mode = #tpu.pipeline_mode<synchronous>, transform_indices = @transform_3, window_bounds = array<i64: 128, 128>}, {pipeline_mode = #tpu.pipeline_mode<synchronous>, transform_indices = @transform_4, window_bounds = array<i64: 1, 128>}, {pipeline_mode = #tpu.pipeline_mode<synchronous>, transform_indices = @transform_5, window_bounds = array<i64: 128, 1>}, {pipeline_mode = #tpu.pipeline_mode<synchronous>, transform_indices = @transform_6, window_bounds = array<i64: 1, 1>}, {pipeline_mode = #tpu.pipeline_mode<synchronous>, transform_indices = @transform_7, window_bounds = array<i64: 64, 1>}]} {
    %eq3A = arith.constant 0 : i32
    %eq3A_0 = arith.cmpi eq, %arg0, %eq3A : i32
    %convert_element_type3A = arith.extui %eq3A_0 : i1 to i32
    %cond3A = arith.constant 0 : i32
    %cond3A_1 = arith.cmpi ne, %convert_element_type3A, %cond3A : i32
    scf.if %cond3A_1 {
      %broadcast_in_dim3A_57 = arith.constant 0.000000e+00 : f32
      %broadcast_in_dim3A_58 = vector.broadcast %broadcast_in_dim3A_57 : f32 to vector<64x128xf32>
      %swap3A_59 = arith.constant 0 : index
      %swap3A_60 = arith.constant 0 : index
      %swap3A_61 = vector.load %arg9[%swap3A_59, %swap3A_60] : memref<64x128xf32, #tpu.memory_space<vmem>>, vector<64x128xf32>
      tpu.vector_store %arg9[%swap3A_59, %swap3A_60], %broadcast_in_dim3A_58 {strides = array<i32>} : memref<64x128xf32, #tpu.memory_space<vmem>>, vector<64x128xf32>,
      %broadcast_in_dim3A_62 = arith.constant 0.000000e+00 : f32
      %broadcast_in_dim3A_63 = vector.broadcast %broadcast_in_dim3A_62 : f32 to vector<64x1xf32>
      %swap3A_64 = arith.constant 0 : index
      %swap3A_65 = arith.constant 0 : index
      %swap3A_66 = vector.load %arg10[%swap3A_64, %swap3A_65] : memref<64x1xf32, #tpu.memory_space<vmem>>, vector<64x1xf32>
      tpu.vector_store %arg10[%swap3A_64, %swap3A_65], %broadcast_in_dim3A_63 {strides = array<i32>} : memref<64x1xf32, #tpu.memory_space<vmem>>, vector<64x1xf32>,
    } else {
    }
    %get3A = arith.constant 0 : index
    %get3A_2 = arith.constant 0 : index
    %get3A_3 = vector.load %arg1[%get3A, %get3A_2] : memref<1000x128xf32, #tpu.memory_space<vmem>>, vector<1000x128xf32>
    %get3A_4 = arith.constant 0 : index
    %get3A_5 = arith.constant 0 : index
    %get3A_6 = vector.load %arg4[%get3A_4, %get3A_5] : memref<128x128xf32, #tpu.memory_space<vmem>>, vector<128x128xf32>
    %dot_general3A = arith.constant dense<0.000000e+00> : vector<1000x128xf32>
    %dot_general3A_7 = tpu.matmul %get3A_3, %get3A_6, %dot_general3A {dimension_numbers = #tpu.dot_dimension_numbers<[1], [0], [0], [1], [0, 0, 1, 1], [], []>, transpose_lhs_hint = false} : vector<1000x128xf32>, vector<128x128xf32>, vector<1000x128xf32> -> vector<1000x128xf32>
    %get3A_8 = arith.constant 0 : index
    %get3A_9 = arith.constant 0 : index
    %get3A_10 = arith.constant 0 : index
    %get3A_11 = vector.load %arg2[%get3A_8, %get3A_9, %get3A_10] : memref<2x1000x128xf32, #tpu.memory_space<vmem>>, vector<1x1000x128xf32>
    %get3A_12 = vector.shape_cast %get3A_11 : vector<1x1000x128xf32> to vector<1000x128xf32>
    %get3A_13 = arith.constant 1 : index
    %get3A_14 = arith.constant 0 : index
    %get3A_15 = arith.constant 0 : index
    %get3A_16 = vector.load %arg2[%get3A_13, %get3A_14, %get3A_15] : memref<2x1000x128xf32, #tpu.memory_space<vmem>>, vector<1x1000x128xf32>
    %get3A_17 = vector.shape_cast %get3A_16 : vector<1x1000x128xf32> to vector<1000x128xf32>
    %add3A = arith.addf %get3A_12, %get3A_17 : vector<1000x128xf32>
    %add3A_18 = arith.addf %dot_general3A_7, %add3A : vector<1000x128xf32>
    %get3A_19 = arith.constant 0 : index
    %get3A_20 = arith.constant 0 : index
    %get3A_21 = vector.load %arg5[%get3A_19, %get3A_20] : memref<1x128xf32, #tpu.memory_space<vmem>>, vector<1x128xf32>
    %add3A_22 = vector.broadcast %get3A_21 : vector<1x128xf32> to vector<1000x128xf32>
    %add3A_23 = arith.addf %add3A_18, %add3A_22 : vector<1000x128xf32>
    %gt3A = arith.constant 0.000000e+00 : f32
    %gt3A_24 = vector.broadcast %gt3A : f32 to vector<1000x128xf32>
    %gt3A_25 = arith.cmpf ogt, %add3A_23, %gt3A_24 : vector<1000x128xf32>
    %mul3A = arith.constant 0.00999999977 : f32
    %mul3A_26 = vector.broadcast %mul3A : f32 to vector<1000x128xf32>
    %mul3A_27 = arith.mulf %mul3A_26, %add3A_23 : vector<1000x128xf32>
    %select_n3A = arith.select %gt3A_25, %add3A_23, %mul3A_27 : vector<1000x128xi1>, vector<1000x128xf32>
    %get3A_28 = arith.constant 0 : index
    %get3A_29 = arith.constant 0 : index
    %get3A_30 = arith.constant 0 : index
    %get3A_31 = vector.load %arg3[%get3A_28, %get3A_29, %get3A_30] : memref<1x1x1000xi32, #tpu.memory_space<vmem>>, vector<1x1x1000xi32>
    %reshape3A = vector.shape_cast %get3A_31 : vector<1x1x1000xi32> to vector<1x1000xi32>
    %iota3A = tpu.iota {dimensions = array<i32: 0>} : vector<64x1000xi32>
    %eq3A_32 = vector.broadcast %reshape3A : vector<1x1000xi32> to vector<64x1000xi32>
    %eq3A_33 = arith.cmpi eq, %iota3A, %eq3A_32 : vector<64x1000xi32>
    %convert_element_type3A_34 = arith.extui %eq3A_33 : vector<64x1000xi1> to vector<64x1000xi32>
    %convert_element_type3A_35 = arith.sitofp %convert_element_type3A_34 : vector<64x1000xi32> to vector<64x1000xf32>
    %get3A_36 = arith.constant 0 : index
    %get3A_37 = arith.constant 0 : index
    %get3A_38 = vector.load %arg9[%get3A_36, %get3A_37] : memref<64x128xf32, #tpu.memory_space<vmem>>, vector<64x128xf32>
    %dot_general3A_39 = arith.constant dense<0.000000e+00> : vector<64x128xf32>
    %dot_general3A_40 = tpu.matmul %convert_element_type3A_35, %select_n3A, %dot_general3A_39 {dimension_numbers = #tpu.dot_dimension_numbers<[1], [0], [0], [1], [0, 0, 1, 1], [], []>, precision = #tpu.contract_precision<fp32>, transpose_lhs_hint = false} : vector<64x1000xf32>, vector<1000x128xf32>, vector<64x128xf32> -> vector<64x128xf32>
    %add3A_41 = arith.addf %get3A_38, %dot_general3A_40 : vector<64x128xf32>
    %swap3A = arith.constant 0 : index
    %swap3A_42 = arith.constant 0 : index
    %swap3A_43 = vector.load %arg9[%swap3A, %swap3A_42] : memref<64x128xf32, #tpu.memory_space<vmem>>, vector<64x128xf32>
    tpu.vector_store %arg9[%swap3A, %swap3A_42], %add3A_41 {strides = array<i32>} : memref<64x128xf32, #tpu.memory_space<vmem>>, vector<64x128xf32>,
    %get3A_44 = arith.constant 0 : index
    %get3A_45 = arith.constant 0 : index
    %get3A_46 = vector.load %arg10[%get3A_44, %get3A_45] : memref<64x1xf32, #tpu.memory_space<vmem>>, vector<64x1xf32>
    %reduce_sum3A = arith.constant dense<0.000000e+00> : vector<64xf32>
    %reduce_sum3A_47 = vector.multi_reduction <add>, %convert_element_type3A_35, %reduce_sum3A [1] : vector<64x1000xf32> to vector<64xf32>
    %broadcast_in_dim3A = vector.shape_cast %reduce_sum3A_47 : vector<64xf32> to vector<64x1xf32>
    %add3A_48 = arith.addf %get3A_46, %broadcast_in_dim3A : vector<64x1xf32>
    %swap3A_49 = arith.constant 0 : index
    %swap3A_50 = arith.constant 0 : index
    %swap3A_51 = vector.load %arg10[%swap3A_49, %swap3A_50] : memref<64x1xf32, #tpu.memory_space<vmem>>, vector<64x1xf32>
    tpu.vector_store %arg10[%swap3A_49, %swap3A_50], %add3A_48 {strides = array<i32>} : memref<64x1xf32, #tpu.memory_space<vmem>>, vector<64x1xf32>,
    %eq3A_52 = arith.constant 9 : i32
    %eq3A_53 = arith.cmpi eq, %arg0, %eq3A_52 : i32
    %convert_element_type3A_54 = arith.extui %eq3A_53 : i1 to i32
    %cond3A_55 = arith.constant 0 : i32
    %cond3A_56 = arith.cmpi ne, %convert_element_type3A_54, %cond3A_55 : i32
    scf.if %cond3A_56 {
      %get3A_57 = arith.constant 0 : index
      %get3A_58 = arith.constant 0 : index
      %get3A_59 = vector.load %arg9[%get3A_57, %get3A_58] : memref<64x128xf32, #tpu.memory_space<vmem>>, vector<64x128xf32>
      %get3A_60 = arith.constant 0 : index
      %get3A_61 = arith.constant 0 : index
      %get3A_62 = vector.load %arg10[%get3A_60, %get3A_61] : memref<64x1xf32, #tpu.memory_space<vmem>>, vector<64x1xf32>
      %max3A = arith.constant 1.000000e+00 : f32
      %max3A_63 = vector.broadcast %max3A : f32 to vector<64x1xf32>
      %max3A_64 = arith.maximumf %get3A_62, %max3A_63 : vector<64x1xf32>
      %div3A = vector.broadcast %max3A_64 : vector<64x1xf32> to vector<64x128xf32>
      %div3A_65 = arith.divf %get3A_59, %div3A : vector<64x128xf32>
      %mul3A_66 = arith.mulf %div3A_65, %div3A_65 : vector<64x128xf32>
      %reduce_sum3A_67 = arith.constant dense<0.000000e+00> : vector<64xf32>
      %reduce_sum3A_68 = vector.multi_reduction <add>, %mul3A_66, %reduce_sum3A_67 [1] : vector<64x128xf32> to vector<64xf32>
      %broadcast_in_dim3A_69 = vector.shape_cast %reduce_sum3A_68 : vector<64xf32> to vector<64x1xf32>
      %sqrt3A = math.sqrt %broadcast_in_dim3A_69 : vector<64x1xf32>
      %max3A_70 = arith.constant 9.99999996E-13 : f32
      %max3A_71 = vector.broadcast %max3A_70 : f32 to vector<64x1xf32>
      %max3A_72 = arith.maximumf %sqrt3A, %max3A_71 : vector<64x1xf32>
      %div3A_73 = vector.broadcast %max3A_72 : vector<64x1xf32> to vector<64x128xf32>
      %div3A_74 = arith.divf %div3A_65, %div3A_73 : vector<64x128xf32>
      %get3A_75 = arith.constant 0 : index
      %get3A_76 = arith.constant 0 : index
      %get3A_77 = vector.load %arg6[%get3A_75, %get3A_76] : memref<128x1xf32, #tpu.memory_space<vmem>>, vector<128x1xf32>
      %dot_general3A_78 = arith.constant dense<0.000000e+00> : vector<64x1xf32>
      %dot_general3A_79 = tpu.matmul %div3A_74, %get3A_77, %dot_general3A_78 {dimension_numbers = #tpu.dot_dimension_numbers<[1], [0], [0], [1], [0, 0, 1, 1], [], []>, transpose_lhs_hint = false} : vector<64x128xf32>, vector<128x1xf32>, vector<64x1xf32> -> vector<64x1xf32>
      %get3A_80 = arith.constant 0 : index
      %get3A_81 = arith.constant 0 : index
      %get3A_82 = vector.load %arg7[%get3A_80, %get3A_81] : memref<1x1xf32, #tpu.memory_space<vmem>>, vector<1x1xf32>
      %add3A_83 = vector.broadcast %get3A_82 : vector<1x1xf32> to vector<64x1xf32>
      %add3A_84 = arith.addf %dot_general3A_79, %add3A_83 : vector<64x1xf32>
      %swap3A_85 = arith.constant 0 : index
      %swap3A_86 = arith.constant 0 : index
      %swap3A_87 = vector.load %arg8[%swap3A_85, %swap3A_86] : memref<64x1xf32, #tpu.memory_space<vmem>>, vector<64x1xf32>
      tpu.vector_store %arg8[%swap3A_85, %swap3A_86], %add3A_84 {strides = array<i32>} : memref<64x1xf32, #tpu.memory_space<vmem>>, vector<64x1xf32>,
    } else {
    }
    return
  }
  func.func @transform_0(%arg0: i32) -> (i32, i32) {
    %c0_i32 = arith.constant 0 : i32
    %c0_i32_0 = arith.constant 0 : i32
    return %arg0, %c0_i32 : i32, i32
  }
  func.func @transform_1(%arg0: i32) -> (i32, i32, i32) {
    %c0_i32 = arith.constant 0 : i32
    %c0_i32_0 = arith.constant 0 : i32
    %c0_i32_1 = arith.constant 0 : i32
    return %c0_i32, %arg0, %c0_i32_0 : i32, i32, i32
  }
  func.func @transform_2(%arg0: i32) -> (i32, i32, i32) {
    %c0_i32 = arith.constant 0 : i32
    %c0_i32_0 = arith.constant 0 : i32
    %c0_i32_1 = arith.constant 0 : i32
    return %arg0, %c0_i32, %c0_i32_0 : i32, i32, i32
  }
  func.func @transform_3(%arg0: i32) -> (i32, i32) {
    %c0_i32 = arith.constant 0 : i32
    %c0_i32_0 = arith.constant 0 : i32
    %c0_i32_1 = arith.constant 0 : i32
    return %c0_i32, %c0_i32_0 : i32, i32
  }
  func.func @transform_4(%arg0: i32) -> (i32, i32) {
    %c0_i32 = arith.constant 0 : i32
    %c0_i32_0 = arith.constant 0 : i32
    %c0_i32_1 = arith.constant 0 : i32
    return %c0_i32, %c0_i32_0 : i32, i32
  }
  func.func @transform_5(%arg0: i32) -> (i32, i32) {
    %c0_i32 = arith.constant 0 : i32
    %c0_i32_0 = arith.constant 0 : i32
    %c0_i32_1 = arith.constant 0 : i32
    return %c0_i32, %c0_i32_0 : i32, i32
  }
  func.func @transform_6(%arg0: i32) -> (i32, i32) {
    %c0_i32 = arith.constant 0 : i32
    %c0_i32_0 = arith.constant 0 : i32
    %c0_i32_1 = arith.constant 0 : i32
    return %c0_i32, %c0_i32_0 : i32, i32
  }
  func.func @transform_7(%arg0: i32) -> (i32, i32) {
    %c0_i32 = arith.constant 0 : i32
    %c0_i32_0 = arith.constant 0 : i32
    %c0_i32_1 = arith.constant 0 : i32
    return %c0_i32, %c0_i32_0 : i32, i32
  }
}

</mosaic_0001>

<sc_bundles>
// kernel: kernel.6.cloned.1.call-start
scs
__scs_entry_jumppad:
0x0: {  	(pc) =	sbr.rel $0x88, $3  }
0x1: {  	(tag) =	ssettag $0x0;
	lr =	simm.s32 $0x1  }
0x2: {  	[smem:$0x3F97] =	sst lr;
	_ =	strace $0xD0000000  }
0x3: {  	_ = 	snop  }
0x4: {  	_ = 	snop  }
0x5: {  	_ = 	snop  }
0x6: {  	_ = 	snop  }
0x7: {  	_ = 	snop  }
__scs_overlays_trampoline_lowered:
0x8: {  	[smem:$0x3FA6] =	sst s0  }
0x9: {  	[smem:$0x3FA7] =	sst s1  }
0xa: {  	[smem:$0x3FA8] =	sst s2  }
0xb: {  	[smem:$0x3FA9] =	sst s3  }
0xc: {  	[smem:$0x3FAA] =	sst s4  }
0xd: {  	[smem:$0x3FAB] =	sst s5  }
0xe: {  	[smem:$0x3FAC] =	sst s6  }
0xf: {  	[smem:$0x3FAD] =	sst s7  }
0x10: {  	[smem:$0x3FAE] =	sst s8  }
0x11: {  	[smem:$0x3FAF] =	sst s9;
	s0 =	simm.s32 @!p0 $0x0  }
0x12: {  	s1 =	sld [smem:$0x3F95];
	s0 =	simm.s32 @p0 $0x1  }
0x13: {  	[smem:$0x3FB0] =	sst s0;
	s0 =	simm.s32 @!p1 $0x0  }
0x14: {  	s2 =	sld [smem:$0x3F94];
	s0 =	simm.s32 @p1 $0x1  }
0x15: {  	[smem:$0x3FB1] =	sst s0;
	s0 =	simm.s32 @!p2 $0x0  }
0x16: {  	s3 =	sld [smem:$0x3FDB];
	s0 =	simm.s32 @p2 $0x1  }
0x17: {  	s4 =	simm.s32 $0x1BF5;
	[smem:$0x3FB3] =	sst s0  }
0x18: {  	s0 =	sld [smem:$0x3F96];
	_ =	swait.ge [sflag:s4], $0x0  }
0x19: {  	s7 =	sld [smem:$0x3F97]  }
0x1a: {  	s8 =	sadd.s32 $0xFFFFE003, lr  }
0x1b: {  	s9 =	sadd.s32 $0xFFFFFEF7, lr;
	s5 =	simm.s32 $0xFFFFFFFF;
	p2 =	slt.u32 s8, $0xFFFFF086  }
0x1c: {  	p1 =	slt.u32 s9, $0xF7A;
	s5 =	simm.s32 @!p2 $0x0  }
0x1d: {  	s5 =	simm.s32 @p1 $0x1;
	p0 =	seq.s32 s7, s2  }
0x1e: {  	s7 =	smul.u32 @!p0 $0xF7A, s2;
	p2 =	seq.s32 @!p0 s5, $0x0  }
0x1f: {  	s9 =	smul.u32 $0xF7A, s1;
	s8 =	simm.s32 @!p0 $0x1BF5;
	p2 =	por !p2, p0  }
0x20: {  	[sflag:s8] =	ssyncset.s32 @!p0 $0xFFFFF086;
	s6 =	sadd.s32 @!p0 s3, s7;
	s7 =	simm.s32 @!p0 $0x108  }
0x21: {  	s3 =	sadd.s32 s3, s9;
	s6 =	sadd.s32 @!p0 $0x88, s6;
	s7 =	simm.s32 @p2 $0x1082  }
0x22: {  	[simem:s7], [sflag:s8] =	dma.local @!p0 [hbm:s6], $0xF7A  }
0x23: {  	s9 =	sor.u32 $0xD0000000, s2;
	s6 =	simm.s32 $0x108;
	_ =	swait.ge @!p0 [sflag:s8], $0x0  }
0x24: {  	s3 =	sadd.s32 $0x88, s3;
	s6 =	simm.s32 @!p1 $0x1082;
	[sflag:s4] =	ssyncset.s32 $0xFFFFF086  }
0x25: {  	[simem:s6], [sflag:s4] =	dma.local [hbm:s3], $0xF7A  }
0x26: {  	[smem:$0x3F97] =	sst s1;
	(tag) =	ssettag s2;
	_ =	strace s9  }
0x27: {  	s1 =	sld [smem:$0x3FA7]  }
0x28: {  	s2 =	sld [smem:$0x3FA8]  }
0x29: {  	s4 =	sld [smem:$0x3FAA]  }
0x2a: {  	p0 =	seq.s32 s5, $0x0;
	s5 =	sld [smem:$0x3FAB]  }
0x2b: {  	s6 =	sld [smem:$0x3FAC]  }
0x2c: {  	s7 =	sld [smem:$0x3FAD]  }
0x2d: {  	s3 =	simm.s32 $0x108;
	s8 =	sld [smem:$0x3FAE]  }
0x2e: {  	s3 =	simm.s32 @!p0 $0x1082;
	s9 =	sld [smem:$0x3FAF]  }
0x2f: {  	lr =	sadd.s32 s0, s3;
	s0 =	sld [smem:$0x3FA6]  }
0x30: {  	s3 =	sld [smem:$0x3FA9]  }
0x31: {  	[smem:$0x3FB2] =	sst s10  }
0x32: {  	s10 =	sld [smem:$0x3FB0];
	_ =	sdelay $0x3  }
0x33: {  	p0 =	seq.s32 s10, $0x1;
	s10 =	sld [smem:$0x3FB2];
	_ =	sdelay $0x3  }
0x34: {  	[smem:$0x3FB2] =	sst s10  }
0x35: {  	s10 =	sld [smem:$0x3FB1];
	_ =	sdelay $0x3  }
0x36: {  	p1 =	seq.s32 s10, $0x1;
	s10 =	sld [smem:$0x3FB2];
	_ =	sdelay $0x3  }
0x37: {  	[smem:$0x3FB2] =	sst s10  }
0x38: {  	s10 =	sld [smem:$0x3FB3]  }
0x39: {  	_ = 	snop;
	(pc) =	sbr.ind lr, $3  }
0x3a: {  	_ = 	snop  }
0x3b: {  	_ = 	snop  }
0x3c: {  	p2 =	seq.s32 s10, $0x1;
	s10 =	sld [smem:$0x3FB2]  }
0x3d: {  	_ =	shalt  }
0x3e: {  	_ =	shalt  }
0x3f: {  	_ =	shalt  }
0x40: {  	_ =	shalt  }
0x41: {  	_ =	shalt  }
0x42: {  	_ =	shalt  }
0x43: {  	_ =	shalt  }
0x44: {  	_ =	shalt  }
0x45: {  	_ =	shalt  }
0x46: {  	_ =	shalt  }
0x47: {  	_ =	shalt  }
0x48: {  	_ =	shalt  }
0x49: {  	_ =	shalt  }
0x4a: {  	_ =	shalt  }
0x4b: {  	_ =	shalt  }
0x4c: {  	_ =	shalt  }
0x4d: {  	_ =	shalt  }
0x4e: {  	_ =	shalt  }
0x4f: {  	_ =	shalt  }
0x50: {  	_ =	shalt  }
0x51: {  	_ =	shalt  }
0x52: {  	_ =	shalt  }
0x53: {  	_ =	shalt  }
0x54: {  	_ =	shalt  }
0x55: {  	_ =	shalt  }
0x56: {  	_ =	shalt  }
0x57: {  	_ =	shalt  }
0x58: {  	_ =	shalt  }
0x59: {  	_ =	shalt  }
0x5a: {  	_ =	shalt  }
0x5b: {  	_ =	shalt  }
0x5c: {  	_ =	shalt  }
0x5d: {  	_ =	shalt  }
0x5e: {  	_ =	shalt  }
0x5f: {  	_ =	shalt  }
0x60: {  	_ =	shalt  }
0x61: {  	_ =	shalt  }
0x62: {  	_ =	shalt  }
0x63: {  	_ =	shalt  }
0x64: {  	_ =	shalt  }
0x65: {  	_ =	shalt  }
0x66: {  	_ =	shalt  }
0x67: {  	_ =	shalt  }
0x68: {  	_ =	shalt  }
0x69: {  	_ =	shalt  }
0x6a: {  	_ =	shalt  }
0x6b: {  	_ =	shalt  }
0x6c: {  	_ =	shalt  }
0x6d: {  	_ =	shalt  }
0x6e: {  	_ =	shalt  }
0x6f: {  	_ =	shalt  }
0x70: {  	_ =	shalt  }
0x71: {  	_ =	shalt  }
0x72: {  	_ =	shalt  }
0x73: {  	_ =	shalt  }
0x74: {  	_ =	shalt  }
0x75: {  	_ =	shalt  }
0x76: {  	_ =	shalt  }
0x77: {  	_ =	shalt  }
0x78: {  	_ =	shalt  }
0x79: {  	_ =	shalt  }
0x7a: {  	_ =	shalt  }
0x7b: {  	_ =	shalt  }
0x7c: {  	_ =	shalt  }
0x7d: {  	_ =	shalt  }
0x7e: {  	_ =	shalt  }
0x7f: {  	_ =	shalt  }
0x80: {  	_ =	shalt  }
0x81: {  	_ =	shalt  }
0x82: {  	_ =	shalt  }
0x83: {  	_ =	shalt  }
0x84: {  	_ =	shalt  }
0x85: {  	_ =	shalt  }
0x86: {  	_ =	shalt  }
0x87: {  	_ =	shalt  }
.Lfunc_end0:
.L_simem_size_0:
called_computation_lowered:
.L_overlay_start_0:
0x88: {  	s2 =	sld [smem:$0x3FD9]  }
0x89: {  	s3 =	sld [smem:$0x3FFE];
	_ =	sdelay $0x1  }
0x8a: {  	s1 =	srdreg.scid  }
0x8b: {  	s0 =	sand.u32 $0x1, s1  }
0x8c: {  	s16 =	sshll.u32 s0, $0xA;
	s2 =	sadd.s32 s3, s2  }
0x8d: {  	s2 =	sadd.s32 s2, s16  }
0x8e: {  	[smem:$0x3FBE] =	sst s2  }
0x8f: {  	_ = 	snop  }
0x90: {  	(tm) =	ssettm $0x1  }
0x91: {  	s17 =	sld [smem:$0x3FFB];
	_ =	sdelay $0x3  }
0x92: {  	_ =	strace s17  }
0x93: {  	s2 =	sld [smem:$0x3FFC];
	_ =	sdelay $0x3  }
0x94: {  	_ =	strace s2  }
0x95: {  	s2 =	sld [smem:$0x3FFD];
	_ =	sdelay $0x3  }
0x96: {  	_ =	strace s2  }
0x97: {  	_ =	strace $0x8FFFFFFF  }
0x98: {  	s18 =	sld [smem:$0x3FDB];
	_ =	sdelay $0x1  }
0x99: {  	s19 =	simm.s32 $_scs_section_size  }
0x9a: {  	s4 =	simm.s32 $_size__tile_overlayer_lowered;
	s5 =	simm.s32 $_tile_overlayer_lowered  }
0x9b: {  	s22 =	simm.s32 $0x1BFF;
	s21 =	sshll.u32 s5, $0x1;
	s2 =	sadd.s32 s19, s18  }
0x9c: {  	s6 =	simm.s32 $0x0;
	s20 =	sshll.u32 s4, $0x1;
	s4 =	sadd.s32 s21, s2  }
0x9d: {  	[timem:s6], [sflag:s22] =	dma.local [hbm:s4], s20  }
0x9e: {  	_ =	swait.ge [sflag:s22], s20  }
0x9f: {  	s3 =	ssub.s32 $0x0, s20;
	[sflag:s22] =	ssyncset.done $0x0  }
0xa0: {  	[sflag:s22] =	ssyncadd.s32 s3;
	_ =	sdelay $0x1  }
0xa1: {  	s23 =	simm.s32 $0x1B8B  }
0xa2: {  	_ =	swait.ge [sflag:s23], $0x1  }
0xa3: {  	[sflag:s23] =	ssyncset.done $0x0  }
0xa4: {  	s25 =	simm.s32 $0x1B8E;
	s24 =	sld [smem:$0x3FFE];
	[sflag:s23] =	ssyncadd.s32 $0xFFFFFFFF  }
0xa5: {  	s26 =	simm.s32 $execute0_lowered;
	[smem:$0x3FD2] =	sst s25  }
0xa6: {  	s4 =	sshll.u32 s26, $0x1;
	_ =	strace $0x80000046;
	[dreg:$0x1] =	wrdreg $0xFFFFFFFF  }
0xa7: {  	s28 =	simm.s32 $_size_execute0_lowered;
	s2 =	sadd.s32 s2, s4;
	[dreg:$0x0] =	wrdreg $0x0  }
0xa8: {  	s4 =	sshll.u32 s28, $0x1;
	[dreg:$0x2] =	wrdreg s2  }
0xa9: {  	[dreg:$0x3] =	wrdreg s4  }
0xaa: {  	[dreg:$0x4] =	wrdreg $0xC0  }
0xab: {  	_ =	task [dreg:s6], $0x5FFFF  }
0xac: {  	[dreg:$0x1] =	wrdreg $0xFFFFFFFF  }
0xad: {  	[dreg:$0x0] =	wrdreg $0x60  }
0xae: {  	[dreg:$0x2] =	wrdreg s24  }
0xaf: {  	[dreg:$0x3] =	wrdreg $0xA2000  }
0xb0: {  	[dreg:$0x4] =	wrdreg $0x9  }
0xb1: {  	_ =	task.clear_ibuf [dreg:s6], $0x5FFFF;
	_ =	strace $0x90000046  }
0xb2: {  	s29 =	simm.s32 $0x9;
	_ =	strace $0x80000048  }
0xb3: {  	_ =	swait.ge [sflag:s29], $0x1  }
0xb4: {  	[sflag:s29] =	ssyncadd.s32 $0xFFFFFFFF  }
0xb5: {  	_ =	strace $0x90000048  }
0xb6: {  	_ =	sfence  }
0xb7: {  	s30 =	sld [smem:$0x0];
	_ =	sdelay $0x2  }
0xb8: {  	s31 =	sshll.u32 s1, $0xD;
	s1 =	sshrl.u32 s1, $0x2  }
0xb9: {  	s3 =	sand.u32 $0x4000, s31;
	s1 =	sadd.s32 s1, s30  }
0xba: {  	s0 =	sor.u32 s3, s0;
	s1 =	sshll.u32 s1, $0x11  }
0xbb: {  	s0 =	sor.u32 s1, s0  }
0xbc: {  	s0 =	sadd.s32 $0x8F2B, s0  }
0xbd: {  	[sflag:s0] =	ssyncadd.remote.s32 $0x1  }
0xbe: {  	_ =	sfence.sel $0xFFFF  }
0xbf: {  	[dreg:$0x0] =	wrdreg $0xFFFFFFFF;
	(pc) =	sbr.abs _section_cstart, $3  }
0xc0: {  	[dreg:$0x1] =	wrdreg $0xFFFFFFFF  }
0xc1: {  	_ =	task.clear_ibuf [dreg:s6], $0x2FFFF;
	_ =	strace $0x9FFFFFFF  }
0xc2: {  	(tm) =	ssettm $0x7FFFFFFF  }
0xc3: {  	_ =	shalt  }
tec
execute0_lowered:
.L_overlay_start_1:
0x0: {  	(tag) =	ssettag $0x1  }
0x1: {  	s20 =	stileid.u32  }
0x2: {  	s0 =	srdreg.scid;
	s11 =	smul.u32 $0x280, s20  }
0x3: {  	s8 =	sand.u32 $0x1, s0;
	s14 =	smul.u32 $0x2800, s20  }
0x4: {  	s0 =	rddreg [dreg:$0x0];
	s1 =	sshll.u32 s8, $0x4;
	s12 =	smul.u32 $0x140000, s8  }
0x5: {  	s9 =	sadd.s32 $0x3C400, s0;
	s10 =	sadd.s32 $0x4F7200, s0;
	s24 =	smul.u32 $0x271000, s8  }
0x6: {  	s6 =	sadd.s32 $0x64400, s0;
	s2 =	ssub.s32 $0x2, s8;
	s8 =	smul.u32 $0x27100, s8  }
0x7: {  	s29 =	sadd.s32 $0x15200, s0;
	s1 =	sor.u32 s20, s1;
	s3 =	sshrl.u32 s2, $0x1  }
0x8: {  	s15 =	sor.u32 $0x50, s11;
	s4 =	sadd.s32 $0xA0, s11;
	s5 =	sadd.s32 $0xF0, s11  }
0x9: {  	s19 =	sadd.s32 $0x140, s11;
	s23 =	sadd.s32 $0x1E0, s11;
	s1 =	smul.u32 $0x2710, s1  }
0xa: {  	s16 =	sshll.u32 s15, $0x4;
	s17 =	sshll.u32 s4, $0x4;
	s21 =	sshll.u32 s19, $0x4  }
0xb: {  	s7 =	sadd.s32 $0x26C0, s1;
	s1 =	ssub.s32 s2, s3;
	s3 =	sadd.s32 s9, s14  }
0xc: {  	s14 =	sadd.s32 $0x190, s11;
	s11 =	sadd.s32 $0x230, s11;
	s13 =	sshll.u32 s7, $0x4  }
0xd: {  	[dreg:$0x4] =	wrdreg s3;
	s3 =	sadd.s32 s9, s16;
	s22 =	sshll.u32 s14, $0x4  }
0xe: {  	s16 =	sshll.u32 s11, $0x4;
	s14 =	sshll.u32 s14, $0x7;
	s11 =	sshll.u32 s11, $0x7  }
0xf: {  	s7 =	sshrl.u32 s7, $0x3;
	s2 =	sadd.s32 s10, s13;
	[dreg:$0x5] =	wrdreg s3  }
0x10: {  	s3 =	sadd.s32 s9, s17;
	s13 =	sshll.u32 s5, $0x4;
	[dreg:$0x3] =	wrdreg s2  }
0x11: {  	s17 =	smul.u32 $0x14000, s20;
	s2 =	sshll.u32 s15, $0x7;
	[dreg:$0x6] =	wrdreg s3  }
0x12: {  	s3 =	sshll.u32 s4, $0x7;
	s18 =	sadd.s32 s9, s13;
	s4 =	sshll.u32 s5, $0x7  }
0x13: {  	s5 =	sadd.s32 s9, s21;
	s13 =	sadd.s32 s9, s22;
	[dreg:$0x7] =	wrdreg s18  }
0x14: {  	s15 =	sshll.u32 s23, $0x4;
	s21 =	sadd.s32 s12, s14;
	[dreg:$0x8] =	wrdreg s5  }
0x15: {  	s5 =	sshll.u32 s19, $0x7;
	[dreg:$0x9] =	wrdreg s13;
	s15 =	sadd.s32 s9, s15  }
0x16: {  	s9 =	sadd.s32 s9, s16;
	s13 =	sshll.u32 s23, $0x7;
	s25 =	sadd.s32 s12, s17  }
0x17: {  	s26 =	sadd.s32 s12, s2;
	s16 =	sadd.s32 s12, s4;
	[dreg:$0xa] =	wrdreg s15  }
0x18: {  	s23 =	smul.u32 $0x27100, s20;
	[dreg:$0xb] =	wrdreg s9;
	s15 =	sshrl.u32 s25, $0x3  }
0x19: {  	s9 =	sadd.s32 s24, s10;
	s10 =	sshrl.u32 s26, $0x3;
	s17 =	sadd.s32 s12, s5  }
0x1a: {  	s22 =	sadd.s32 s12, s13;
	s24 =	smul.u32 $0x2710, s20;
	s15 =	sadd.s32 s6, s15  }
0x1b: {  	s20 =	smul.u32 $0x50000, s20;
	s10 =	sadd.s32 s6, s10;
	[dreg:$0xc] =	wrdreg s15  }
0x1c: {  	s19 =	sshrl.u32 s17, $0x3;
	[dreg:$0xd] =	wrdreg s10;
	s15 =	sadd.s32 s12, s3  }
0x1d: {  	s12 =	sadd.s32 s12, s11;
	s10 =	sshrl.u32 s15, $0x3;
	s15 =	sshrl.u32 s16, $0x3  }
0x1e: {  	s26 =	sshrl.u32 s12, $0x3;
	s12 =	sadd.s32 $0xB400, s0;
	s10 =	sadd.s32 s6, s10  }
0x1f: {  	s18 =	sadd.s32 s6, s15;
	s15 =	sshrl.u32 s22, $0x3;
	[dreg:$0xe] =	wrdreg s10  }
0x20: {  	s16 =	sadd.s32 s12, s7;
	s22 =	smax.u32 s1, $0x1;
	[dreg:$0xf] =	wrdreg s18  }
0x21: {  	s10 =	sadd.s32 s6, s19;
	s25 =	sadd.s32 s6, s15;
	s18 =	sadd.s32 s23, s9  }
0x22: {  	s9 =	sadd.s32 s24, s8;
	s19 =	simm.s32 $0x0;
	[dreg:$0x14] =	wrdreg s16  }
0x23: {  	s15 =	sadd.s32 $0x1600, s0;
	s8 =	simm.s32 $0x80;
	[dreg:$0x10] =	wrdreg s10  }
0x24: {  	s16 =	simm.s32 $0x2;
	s10 =	sshrl.u32 s21, $0x3;
	[dreg:$0x12] =	wrdreg s25  }
0x25: {  	[smem:$0x7FF] =	sst s19;
	s7 =	sadd.s32 s15, s7;
	s17 =	sshrl.u32 s9, $0x3  }
0x26: {  	s21 =	sshrl.u32 s20, $0x2;
	s20 =	simm.s32 $0x0;
	[dreg:$0x15] =	wrdreg s7  }
0x27: {  	s10 =	sadd.s32 s6, s10;
	s6 =	sadd.s32 s6, s26;
	s26 =	rddreg [dreg:$0x1]  }
0x28: {  	s23 =	sadd.s32 s17, s15;
	s24 =	sadd.s32 s17, s12;
	[dreg:$0x11] =	wrdreg s10  }
0x29: {  	s7 =	simm.s32 $0x4;
	s17 =	simm.s32 $0x3;
	[dreg:$0x13] =	wrdreg s6  }
0x2a: {  	s6 =	sadd.s32 $0x50, s9;
	s21 =	sadd.s32 s21, s26;
	s1 =	sadd.s32 s2, s26  }
0x2b: {  	s30 =	sadd.s32 s4, s26;
	s31 =	sadd.s32 s5, s26;
	s2 =	sadd.s32 s14, s26  }
0x2c: {  	s4 =	sadd.s32 s11, s26;
	_ =	strace $0x80000047;
	[dreg:$0x16] =	wrdreg s22  }
0x2d: {  	s9 =	simm.s32 $0x5100;
	s10 =	simm.s32 $0x5180;
	[dreg:$0x17] =	wrdreg s31  }
0x2e: {  	s11 =	simm.s32 $0x2900;
	s14 =	simm.s32 $0x50;
	[dreg:$0x18] =	wrdreg s2  }
0x2f: {  	s6 =	sshrl.u32 s6, $0x3;
	s22 =	sadd.s32 s3, s26;
	[dreg:$0x19] =	wrdreg s21  }
0x30: {  	s3 =	sadd.s32 s13, s26;
	s13 =	simm.s32 $0x1;
	[dreg:$0x1b] =	wrdreg s4  }
0x31: {  	s25 =	sadd.s32 s6, s15;
	s28 =	sadd.s32 s6, s12;
	s6 =	simm.s32 $0x100  }
0x32: {  	s12 =	simm.s32 $0x7A00;
	s15 =	simm.s32 $0x5200;
	[dreg:$0x1a] =	wrdreg s3  }
.LBB2_1:
0x33: {  	s0 =	rddreg [dreg:$0x4]  }
0x34: {  	[tilespmem:s6], [sflag:$0x4] =	stream.linear.gather [hbm4b:s0+s19], $0x2800, $0x38;
	[tilespmem:$0x1E200] =	vst v63  }
0x35: {  	_ =	swait.ge [sflag:s7], $0x2800  }
0x36: {  	[sflag:s7] =	ssyncset.done $0x0  }
0x37: {  	[sflag:s7] =	ssyncadd.s32 $0xFFFFD800  }
0x38: {  	[spmem:s21] =	stream.linear.scatter [tilespmem:s6], [sflag:$0x4], $0x2800, $0x38;
	[tilespmem:$0x1E200] =	vst v63  }
0x39: {  	_ =	swait.ge [sflag:s7], $0x2800  }
0x3a: {  	[sflag:s7] =	ssyncset.done $0x0  }
0x3b: {  	s21 =	rddreg [dreg:$0x5];
	[sflag:s7] =	ssyncadd.s32 $0xFFFFD800  }
0x3c: {  	[tilespmem:s6], [sflag:$0x4] =	stream.linear.gather [hbm4b:s21+s19], $0x2800, $0x38;
	[tilespmem:$0x1E200] =	vst v63  }
0x3d: {  	_ =	swait.ge [sflag:s7], $0x2800  }
0x3e: {  	[sflag:s7] =	ssyncset.done $0x0  }
0x3f: {  	[sflag:s7] =	ssyncadd.s32 $0xFFFFD800  }
0x40: {  	[spmem:s1] =	stream.linear.scatter [tilespmem:s6], [sflag:$0x4], $0x2800, $0x38;
	[tilespmem:$0x1E200] =	vst v63  }
0x41: {  	_ =	swait.ge [sflag:s7], $0x2800  }
0x42: {  	s21 =	smov.u32 s3;
	[sflag:s7] =	ssyncset.done $0x0  }
0x43: {  	s3 =	smov.u32 s1;
	s1 =	rddreg [dreg:$0x6];
	[sflag:s7] =	ssyncadd.s32 $0xFFFFD800  }
0x44: {  	[tilespmem:s6], [sflag:$0x4] =	stream.linear.gather [hbm4b:s1+s19], $0x2800, $0x38;
	[tilespmem:$0x1E200] =	vst v63  }
0x45: {  	_ =	swait.ge [sflag:s7], $0x2800  }
0x46: {  	[sflag:s7] =	ssyncset.done $0x0  }
0x47: {  	[sflag:s7] =	ssyncadd.s32 $0xFFFFD800  }
0x48: {  	[spmem:s22] =	stream.linear.scatter [tilespmem:s6], [sflag:$0x4], $0x2800, $0x38;
	[tilespmem:$0x1E200] =	vst v63  }
0x49: {  	_ =	swait.ge [sflag:s7], $0x2800  }
0x4a: {  	[sflag:s7] =	ssyncset.done $0x0  }
0x4b: {  	s5 =	rddreg [dreg:$0x7];
	[sflag:s7] =	ssyncadd.s32 $0xFFFFD800  }
0x4c: {  	[tilespmem:s6], [sflag:$0x4] =	stream.linear.gather [hbm4b:s5+s19], $0x2800, $0x38;
	[tilespmem:$0x1E200] =	vst v63  }
0x4d: {  	_ =	swait.ge [sflag:s7], $0x2800  }
0x4e: {  	[sflag:s7] =	ssyncset.done $0x0  }
0x4f: {  	[sflag:s7] =	ssyncadd.s32 $0xFFFFD800  }
0x50: {  	[spmem:s30] =	stream.linear.scatter [tilespmem:s6], [sflag:$0x4], $0x2800, $0x38;
	[tilespmem:$0x1E200] =	vst v63  }
0x51: {  	_ =	swait.ge [sflag:s7], $0x2800  }
0x52: {  	s1 =	smov.u32 s4;
	[sflag:s7] =	ssyncset.done $0x0  }
0x53: {  	s4 =	smov.u32 s22;
	s22 =	rddreg [dreg:$0x8];
	[sflag:s7] =	ssyncadd.s32 $0xFFFFD800  }
0x54: {  	[tilespmem:s6], [sflag:$0x4] =	stream.linear.gather [hbm4b:s22+s19], $0x2800, $0x38;
	[tilespmem:$0x1E200] =	vst v63  }
0x55: {  	_ =	swait.ge [sflag:s7], $0x2800  }
0x56: {  	[sflag:s7] =	ssyncset.done $0x0  }
0x57: {  	[sflag:s7] =	ssyncadd.s32 $0xFFFFD800  }
0x58: {  	[spmem:s31] =	stream.linear.scatter [tilespmem:s6], [sflag:$0x4], $0x2800, $0x38;
	[tilespmem:$0x1E200] =	vst v63  }
0x59: {  	_ =	swait.ge [sflag:s7], $0x2800  }
0x5a: {  	[sflag:s7] =	ssyncset.done $0x0  }
0x5b: {  	s22 =	rddreg [dreg:$0x9];
	[sflag:s7] =	ssyncadd.s32 $0xFFFFD800  }
0x5c: {  	[tilespmem:s6], [sflag:$0x4] =	stream.linear.gather [hbm4b:s22+s19], $0x2800, $0x38;
	[tilespmem:$0x1E200] =	vst v63  }
0x5d: {  	_ =	swait.ge [sflag:s7], $0x2800  }
0x5e: {  	[sflag:s7] =	ssyncset.done $0x0  }
0x5f: {  	[sflag:s7] =	ssyncadd.s32 $0xFFFFD800  }
0x60: {  	[spmem:s2] =	stream.linear.scatter [tilespmem:s6], [sflag:$0x4], $0x2800, $0x38;
	[tilespmem:$0x1E200] =	vst v63  }
0x61: {  	_ =	swait.ge [sflag:s7], $0x2800  }
0x62: {  	[sflag:s7] =	ssyncset.done $0x0  }
0x63: {  	s2 =	rddreg [dreg:$0xa];
	[sflag:s7] =	ssyncadd.s32 $0xFFFFD800  }
0x64: {  	[tilespmem:s6], [sflag:$0x4] =	stream.linear.gather [hbm4b:s2+s19], $0x2800, $0x38;
	[tilespmem:$0x1E200] =	vst v63  }
0x65: {  	_ =	swait.ge [sflag:s7], $0x2800  }
0x66: {  	[sflag:s7] =	ssyncset.done $0x0  }
0x67: {  	[sflag:s7] =	ssyncadd.s32 $0xFFFFD800  }
0x68: {  	[spmem:s21] =	stream.linear.scatter [tilespmem:s6], [sflag:$0x4], $0x2800, $0x38;
	[tilespmem:$0x1E200] =	vst v63  }
0x69: {  	_ =	swait.ge [sflag:s7], $0x2800  }
0x6a: {  	[sflag:s7] =	ssyncset.done $0x0  }
0x6b: {  	s21 =	rddreg [dreg:$0xb];
	[sflag:s7] =	ssyncadd.s32 $0xFFFFD800  }
0x6c: {  	[tilespmem:s6], [sflag:$0x4] =	stream.linear.gather [hbm4b:s21+s19], $0x2800, $0x38;
	[tilespmem:$0x1E200] =	vst v63  }
0x6d: {  	_ =	swait.ge [sflag:s7], $0x2800  }
0x6e: {  	[sflag:s7] =	ssyncset.done $0x0  }
0x6f: {  	[sflag:s7] =	ssyncadd.s32 $0xFFFFD800  }
0x70: {  	[spmem:s1] =	stream.linear.scatter [tilespmem:s6], [sflag:$0x4], $0x2800, $0x38;
	[tilespmem:$0x1E200] =	vst v63  }
0x71: {  	_ =	swait.ge [sflag:s7], $0x2800  }
0x72: {  	[sflag:s7] =	ssyncset.done $0x0  }
0x73: {  	[sflag:s7] =	ssyncadd.s32 $0xFFFFD800  }
0x74: {  	s22 =	sadd.s32 $0x0, s24;
	[bflag:$0x0] =	sbarrier.arrive $0xFFFF  }
0x75: {  	[tilespmem:s19], [sflag:$0x1] =	stream.linear.gather [hbm4b:s22+s19], $0x50, $0x38;
	[tilespmem:$0x1E200] =	vst v63  }
0x76: {  	s0 =	sadd.s32 $0x0, s23  }
0x77: {  	[tilespmem:s8], [sflag:$0x1] =	stream.linear.gather [hbm4b:s0+s19], $0x50, $0x38;
	[tilespmem:$0x1E200] =	vst v63  }
0x78: {  	s1 =	sadd.s32 $0x0, s28  }
0x79: {  	[tilespmem:s9], [sflag:$0x1] =	stream.linear.gather [hbm4b:s1+s19], $0x50, $0x38;
	[tilespmem:$0x1E200] =	vst v63  }
0x7a: {  	s2 =	sadd.s32 $0x0, s25  }
0x7b: {  	[tilespmem:s10], [sflag:$0x1] =	stream.linear.gather [hbm4b:s2+s19], $0x50, $0x38;
	[tilespmem:$0x1E200] =	vst v63  }
0x7c: {  	_ = 	snop  }
0x7d: {  	[tilespmem:s11], [sflag:$0x3] =	stream.linear.gather [hbm4b:s18+s19], $0x2800, $0x38;
	[tilespmem:$0x1E200] =	vst v63  }
0x7e: {  	s22 =	sadd.s32 $0x500, s18  }
0x7f: {  	[tilespmem:s12], [sflag:$0x3] =	stream.linear.gather [hbm4b:s22+s19], $0x2800, $0x38;
	[tilespmem:$0x1E200] =	vst v63  }
0x80: {  	_ =	swait.ge [sflag:s13], $0x50  }
0x81: {  	[sflag:s13] =	ssyncset.done $0x0  }
0x82: {  	[sflag:s13] =	ssyncadd.s32 $0xFFFFFFB0  }
0x83: {  	_ =	swait.ge [sflag:s13], $0x50  }
0x84: {  	[sflag:s13] =	ssyncset.done $0x0  }
0x85: {  	[sflag:s13] =	ssyncadd.s32 $0xFFFFFFB0  }
0x86: {  	_ =	swait.ge [sflag:s13], $0x50  }
0x87: {  	[sflag:s13] =	ssyncset.done $0x0  }
0x88: {  	[sflag:s13] =	ssyncadd.s32 $0xFFFFFFB0  }
0x89: {  	_ =	swait.ge [sflag:s13], $0x50  }
0x8a: {  	[sflag:s13] =	ssyncset.done $0x0  }
0x8b: {  	[sflag:s13] =	ssyncadd.s32 $0xFFFFFFB0  }
0x8c: {  	[tilespmem:s6], [sflag:$0x2] =	stream.indirect.gather [hbm4b:s29+s14], $0x80, s19, s14, $0xb8;
	[tilespmem:$0x1E200] =	vst v63  }
0x8d: {  	_ = 	snop  }
0x8e: {  	[tilespmem:s15], [sflag:$0x2] =	stream.indirect.gather [hbm4b:s29+s14], $0x80, s9, s14, $0xb8;
	[tilespmem:$0x1E200] =	vst v63  }
0x8f: {  	_ =	swait.ge [sflag:s16], $0x2800  }
0x90: {  	[sflag:s16] =	ssyncset.done $0x0  }
0x91: {  	[sflag:s16] =	ssyncadd.s32 $0xFFFFD800  }
0x92: {  	_ =	swait.ge [sflag:s16], $0x2800  }
0x93: {  	[sflag:s16] =	ssyncset.done $0x0  }
0x94: {  	[sflag:s16] =	ssyncadd.s32 $0xFFFFD800  }
0x95: {  	_ =	swait.ge [sflag:s17], $0x2800  }
0x96: {  	[sflag:s17] =	ssyncset.done $0x0  }
0x97: {  	[sflag:s17] =	ssyncadd.s32 $0xFFFFD800  }
0x98: {  	_ =	swait.ge [sflag:s17], $0x2800  }
0x99: {  	[sflag:s17] =	ssyncset.done $0x0  }
0x9a: {  	[sflag:s17] =	ssyncadd.s32 $0xFFFFD800  }
0x9b: {  	[spmem:s26] =	stream.indirect.scatter.add.f32 [tilespmem:s6], [sflag:$0x4], $0x80, s8, s14, $0xb8;
	[tilespmem:$0x1E200] =	vst v63  }
0x9c: {  	_ =	swait.ge [sflag:s7], $0x2800  }
0x9d: {  	[sflag:s7] =	ssyncset.done $0x0  }
0x9e: {  	[sflag:s7] =	ssyncadd.s32 $0xFFFFD800  }
0x9f: {  	[spmem:s26] =	stream.indirect.scatter.add.f32 [tilespmem:s11], [sflag:$0x4], $0x80, s8, s14, $0xb8;
	[tilespmem:$0x1E200] =	vst v63  }
0xa0: {  	_ =	swait.ge [sflag:s7], $0x2800  }
0xa1: {  	[sflag:s7] =	ssyncset.done $0x0  }
0xa2: {  	[sflag:s7] =	ssyncadd.s32 $0xFFFFD800  }
0xa3: {  	[spmem:s26] =	stream.indirect.scatter.add.f32 [tilespmem:s15], [sflag:$0x4], $0x80, s10, s14, $0xb8;
	[tilespmem:$0x1E200] =	vst v63  }
0xa4: {  	_ =	swait.ge [sflag:s7], $0x2800  }
0xa5: {  	[sflag:s7] =	ssyncset.done $0x0  }
0xa6: {  	[sflag:s7] =	ssyncadd.s32 $0xFFFFD800  }
0xa7: {  	[spmem:s26] =	stream.indirect.scatter.add.f32 [tilespmem:s12], [sflag:$0x4], $0x80, s10, s14, $0xb8;
	[tilespmem:$0x1E200] =	vst v63  }
0xa8: {  	s5 =	smov.u32 s30;
	s30 =	simm.s32 $0x28;
	_ =	swait.ge [sflag:s7], $0x2800  }
0xa9: {  	s31 =	sadd.s32 $0xA00, s18;
	s21 =	simm.s32 $0x14;
	[sflag:s7] =	ssyncset.done $0x0  }
.LBB2_2:
0xaa: {  	s0 =	sadd.s32 s21, s24  }
0xab: {  	[sflag:s7] =	ssyncadd.s32 $0xFFFFD800;
	s1 =	smov.u32 s30;
	s22 =	sadd.s32 $0x14, s30  }
0xac: {  	[tilespmem:s19], [sflag:$0x1] =	stream.linear.gather [hbm4b:s0+s19], $0x50, $0x38;
	[tilespmem:$0x1E200] =	vst v63  }
0xad: {  	p0 =	sne.s32 s30, $0x4C4;
	s0 =	sadd.s32 s21, s23  }
0xae: {  	[tilespmem:s8], [sflag:$0x1] =	stream.linear.gather [hbm4b:s0+s19], $0x50, $0x38;
	[tilespmem:$0x1E200] =	vst v63  }
0xaf: {  	s0 =	sadd.s32 s21, s28  }
0xb0: {  	[tilespmem:s9], [sflag:$0x1] =	stream.linear.gather [hbm4b:s0+s19], $0x50, $0x38;
	[tilespmem:$0x1E200] =	vst v63  }
0xb1: {  	s0 =	sadd.s32 s21, s25;
	s21 =	smov.u32 s1  }
0xb2: {  	[tilespmem:s10], [sflag:$0x1] =	stream.linear.gather [hbm4b:s0+s19], $0x50, $0x38;
	[tilespmem:$0x1E200] =	vst v63  }
0xb3: {  	_ = 	snop  }
0xb4: {  	[tilespmem:s11], [sflag:$0x3] =	stream.linear.gather [hbm4b:s31+s19], $0x2800, $0x38;
	[tilespmem:$0x1E200] =	vst v63  }
0xb5: {  	s0 =	sadd.s32 $0x500, s31  }
0xb6: {  	[tilespmem:s12], [sflag:$0x3] =	stream.linear.gather [hbm4b:s0+s19], $0x2800, $0x38;
	[tilespmem:$0x1E200] =	vst v63  }
0xb7: {  	_ =	swait.ge [sflag:s13], $0x50  }
0xb8: {  	[sflag:s13] =	ssyncset.done $0x0  }
0xb9: {  	[sflag:s13] =	ssyncadd.s32 $0xFFFFFFB0  }
0xba: {  	_ =	swait.ge [sflag:s13], $0x50  }
0xbb: {  	[sflag:s13] =	ssyncset.done $0x0  }
0xbc: {  	[sflag:s13] =	ssyncadd.s32 $0xFFFFFFB0  }
0xbd: {  	_ =	swait.ge [sflag:s13], $0x50  }
0xbe: {  	[sflag:s13] =	ssyncset.done $0x0  }
0xbf: {  	[sflag:s13] =	ssyncadd.s32 $0xFFFFFFB0  }
0xc0: {  	_ =	swait.ge [sflag:s13], $0x50  }
0xc1: {  	[sflag:s13] =	ssyncset.done $0x0  }
0xc2: {  	[sflag:s13] =	ssyncadd.s32 $0xFFFFFFB0  }
0xc3: {  	[tilespmem:s6], [sflag:$0x2] =	stream.indirect.gather [hbm4b:s29+s14], $0x80, s19, s14, $0xb8;
	[tilespmem:$0x1E200] =	vst v63  }
0xc4: {  	_ = 	snop  }
0xc5: {  	[tilespmem:s15], [sflag:$0x2] =	stream.indirect.gather [hbm4b:s29+s14], $0x80, s9, s14, $0xb8;
	[tilespmem:$0x1E200] =	vst v63  }
0xc6: {  	_ =	swait.ge [sflag:s16], $0x2800  }
0xc7: {  	[sflag:s16] =	ssyncset.done $0x0  }
0xc8: {  	[sflag:s16] =	ssyncadd.s32 $0xFFFFD800  }
0xc9: {  	_ =	swait.ge [sflag:s16], $0x2800  }
0xca: {  	[sflag:s16] =	ssyncset.done $0x0  }
0xcb: {  	[sflag:s16] =	ssyncadd.s32 $0xFFFFD800  }
0xcc: {  	_ =	swait.ge [sflag:s17], $0x2800  }
0xcd: {  	[sflag:s17] =	ssyncset.done $0x0  }
0xce: {  	[sflag:s17] =	ssyncadd.s32 $0xFFFFD800  }
0xcf: {  	_ =	swait.ge [sflag:s17], $0x2800  }
0xd0: {  	[sflag:s17] =	ssyncset.done $0x0  }
0xd1: {  	[sflag:s17] =	ssyncadd.s32 $0xFFFFD800  }
0xd2: {  	[spmem:s26] =	stream.indirect.scatter.add.f32 [tilespmem:s6], [sflag:$0x4], $0x80, s8, s14, $0xb8;
	[tilespmem:$0x1E200] =	vst v63  }
0xd3: {  	_ =	swait.ge [sflag:s7], $0x2800  }
0xd4: {  	[sflag:s7] =	ssyncset.done $0x0  }
0xd5: {  	[sflag:s7] =	ssyncadd.s32 $0xFFFFD800  }
0xd6: {  	[spmem:s26] =	stream.indirect.scatter.add.f32 [tilespmem:s11], [sflag:$0x4], $0x80, s8, s14, $0xb8;
	[tilespmem:$0x1E200] =	vst v63  }
0xd7: {  	_ =	swait.ge [sflag:s7], $0x2800  }
0xd8: {  	[sflag:s7] =	ssyncset.done $0x0  }
0xd9: {  	[sflag:s7] =	ssyncadd.s32 $0xFFFFD800  }
0xda: {  	[spmem:s26] =	stream.indirect.scatter.add.f32 [tilespmem:s15], [sflag:$0x4], $0x80, s10, s14, $0xb8;
	[tilespmem:$0x1E200] =	vst v63  }
0xdb: {  	_ =	swait.ge [sflag:s7], $0x2800  }
.Ltmp0:
0xdc: {  	[sflag:s7] =	ssyncset.done $0x0;
	(pc) =	sbr.rel @p0 .LBB2_2-.Ltmp0, $4  }
0xdd: {  	[sflag:s7] =	ssyncadd.s32 $0xFFFFD800  }
0xde: {  	[spmem:s26] =	stream.indirect.scatter.add.f32 [tilespmem:s12], [sflag:$0x4], $0x80, s10, s14, $0xb8;
	[tilespmem:$0x1E200] =	vst v63  }
0xdf: {  	_ =	swait.ge [sflag:s7], $0x2800  }
0xe0: {  	s30 =	smov.u32 s22;
	s31 =	sadd.s32 $0xA00, s31;
	[sflag:s7] =	ssyncset.done $0x0  }
0xe1: {  	s0 =	sadd.s32 s21, s24;
	[sflag:s7] =	ssyncadd.s32 $0xFFFFD800  }
0xe2: {  	[tilespmem:s19], [sflag:$0x1] =	stream.linear.gather [hbm4b:s0+s19], $0x50, $0x38;
	[tilespmem:$0x1E200] =	vst v63  }
0xe3: {  	s2 =	sadd.s32 s21, s23  }
0xe4: {  	[tilespmem:s8], [sflag:$0x1] =	stream.linear.gather [hbm4b:s2+s19], $0x50, $0x38;
	[tilespmem:$0x1E200] =	vst v63  }
0xe5: {  	s22 =	sadd.s32 s21, s28  }
0xe6: {  	[tilespmem:s9], [sflag:$0x1] =	stream.linear.gather [hbm4b:s22+s19], $0x50, $0x38;
	[tilespmem:$0x1E200] =	vst v63  }
0xe7: {  	s1 =	sadd.s32 s21, s25  }
0xe8: {  	[tilespmem:s10], [sflag:$0x1] =	stream.linear.gather [hbm4b:s1+s19], $0x50, $0x38;
	[tilespmem:$0x1E200] =	vst v63  }
0xe9: {  	_ = 	snop  }
0xea: {  	[tilespmem:s11], [sflag:$0x3] =	stream.linear.gather [hbm4b:s31+s19], $0x2800, $0x38;
	[tilespmem:$0x1E200] =	vst v63  }
0xeb: {  	s2 =	sadd.s32 $0x500, s31  }
0xec: {  	[tilespmem:s12], [sflag:$0x3] =	stream.linear.gather [hbm4b:s2+s19], $0x2800, $0x38;
	[tilespmem:$0x1E200] =	vst v63  }
0xed: {  	_ =	swait.ge [sflag:s13], $0x50  }
0xee: {  	[sflag:s13] =	ssyncset.done $0x0  }
0xef: {  	[sflag:s13] =	ssyncadd.s32 $0xFFFFFFB0  }
0xf0: {  	_ =	swait.ge [sflag:s13], $0x50  }
0xf1: {  	[sflag:s13] =	ssyncset.done $0x0  }
0xf2: {  	[sflag:s13] =	ssyncadd.s32 $0xFFFFFFB0  }
0xf3: {  	_ =	swait.ge [sflag:s13], $0x50  }
0xf4: {  	[sflag:s13] =	ssyncset.done $0x0  }
0xf5: {  	[sflag:s13] =	ssyncadd.s32 $0xFFFFFFB0  }
0xf6: {  	_ =	swait.ge [sflag:s13], $0x50  }
0xf7: {  	[sflag:s13] =	ssyncset.done $0x0  }
0xf8: {  	[sflag:s13] =	ssyncadd.s32 $0xFFFFFFB0  }
0xf9: {  	[tilespmem:s6], [sflag:$0x2] =	stream.indirect.gather [hbm4b:s29+s14], $0x80, s19, s14, $0xb8;
	[tilespmem:$0x1E200] =	vst v63  }
0xfa: {  	_ = 	snop  }
0xfb: {  	[tilespmem:s15], [sflag:$0x2] =	stream.indirect.gather [hbm4b:s29+s14], $0x80, s9, s14, $0xb8;
	[tilespmem:$0x1E200] =	vst v63  }
0xfc: {  	_ =	swait.ge [sflag:s16], $0x2800  }
0xfd: {  	[sflag:s16] =	ssyncset.done $0x0  }
0xfe: {  	[sflag:s16] =	ssyncadd.s32 $0xFFFFD800  }
0xff: {  	_ =	swait.ge [sflag:s16], $0x2800  }
0x100: {  	[sflag:s16] =	ssyncset.done $0x0  }
0x101: {  	[sflag:s16] =	ssyncadd.s32 $0xFFFFD800  }
0x102: {  	_ =	swait.ge [sflag:s17], $0x2800  }
0x103: {  	[sflag:s17] =	ssyncset.done $0x0  }
0x104: {  	[sflag:s17] =	ssyncadd.s32 $0xFFFFD800  }
0x105: {  	_ =	swait.ge [sflag:s17], $0x2800  }
0x106: {  	[sflag:s17] =	ssyncset.done $0x0  }
0x107: {  	[sflag:s17] =	ssyncadd.s32 $0xFFFFD800  }
0x108: {  	[spmem:s26] =	stream.indirect.scatter.add.f32 [tilespmem:s6], [sflag:$0x4], $0x80, s8, s14, $0xb8;
	[tilespmem:$0x1E200] =	vst v63  }
0x109: {  	_ =	swait.ge [sflag:s7], $0x2800  }
0x10a: {  	[sflag:s7] =	ssyncset.done $0x0  }
0x10b: {  	[sflag:s7] =	ssyncadd.s32 $0xFFFFD800  }
0x10c: {  	[spmem:s26] =	stream.indirect.scatter.add.f32 [tilespmem:s11], [sflag:$0x4], $0x80, s8, s14, $0xb8;
	[tilespmem:$0x1E200] =	vst v63  }
0x10d: {  	_ =	swait.ge [sflag:s7], $0x2800  }
0x10e: {  	[sflag:s7] =	ssyncset.done $0x0  }
0x10f: {  	[sflag:s7] =	ssyncadd.s32 $0xFFFFD800  }
0x110: {  	[spmem:s26] =	stream.indirect.scatter.add.f32 [tilespmem:s15], [sflag:$0x4], $0x80, s10, s14, $0xb8;
	[tilespmem:$0x1E200] =	vst v63  }
0x111: {  	_ =	swait.ge [sflag:s7], $0x2800  }
0x112: {  	[sflag:s7] =	ssyncset.done $0x0  }
0x113: {  	[sflag:s7] =	ssyncadd.s32 $0xFFFFD800  }
0x114: {  	[spmem:s26] =	stream.indirect.scatter.add.f32 [tilespmem:s12], [sflag:$0x4], $0x80, s10, s14, $0xb8;
	[tilespmem:$0x1E200] =	vst v63  }
0x115: {  	_ =	swait.ge [sflag:s7], $0x2800  }
0x116: {  	[sflag:s7] =	ssyncset.done $0x0  }
0x117: {  	s21 =	rddreg [dreg:$0x14];
	[sflag:s7] =	ssyncadd.s32 $0xFFFFD800  }
0x118: {  	[tilespmem:s19], [sflag:$0x4] =	stream.linear.gather [hbm4b:s21+s19], $0x50, $0x38;
	[tilespmem:$0x1E200] =	vst v63  }
0x119: {  	_ =	swait.ge [sflag:s7], $0x50  }
0x11a: {  	[sflag:s7] =	ssyncset.done $0x0  }
0x11b: {  	s22 =	rddreg [dreg:$0x15];
	[sflag:s7] =	ssyncadd.s32 $0xFFFFFFB0  }
0x11c: {  	[tilespmem:s8], [sflag:$0x4] =	stream.linear.gather [hbm4b:s22+s19], $0x50, $0x38;
	[tilespmem:$0x1E200] =	vst v63  }
0x11d: {  	_ =	swait.ge [sflag:s7], $0x50  }
0x11e: {  	[sflag:s7] =	ssyncset.done $0x0  }
0x11f: {  	[sflag:s7] =	ssyncadd.s32 $0xFFFFFFB0  }
0x120: {  	[tilespmem:s6], [sflag:$0x2] =	stream.indirect.gather [hbm4b:s29+s14], $0x80, s19, s14, $0xb8;
	[tilespmem:$0x1E200] =	vst v63  }
0x121: {  	_ =	swait.ge [sflag:s16], $0x2800  }
0x122: {  	[sflag:s16] =	ssyncset.done $0x0  }
0x123: {  	s1 =	rddreg [dreg:$0x3];
	[sflag:s16] =	ssyncadd.s32 $0xFFFFD800  }
0x124: {  	[tilespmem:s11], [sflag:$0x4] =	stream.linear.gather [hbm4b:s1+s19], $0x2800, $0x38;
	[tilespmem:$0x1E200] =	vst v63  }
0x125: {  	_ =	swait.ge [sflag:s7], $0x2800  }
0x126: {  	[sflag:s7] =	ssyncset.done $0x0  }
0x127: {  	[sflag:s7] =	ssyncadd.s32 $0xFFFFD800  }
0x128: {  	[spmem:s26] =	stream.indirect.scatter.add.f32 [tilespmem:s6], [sflag:$0x4], $0x80, s8, s14, $0xb8;
	[tilespmem:$0x1E200] =	vst v63  }
0x129: {  	_ =	swait.ge [sflag:s7], $0x2800  }
0x12a: {  	[sflag:s7] =	ssyncset.done $0x0  }
0x12b: {  	[sflag:s7] =	ssyncadd.s32 $0xFFFFD800  }
0x12c: {  	[spmem:s26] =	stream.indirect.scatter.add.f32 [tilespmem:s11], [sflag:$0x4], $0x80, s8, s14, $0xb8;
	[tilespmem:$0x1E200] =	vst v63  }
0x12d: {  	_ =	swait.ge [sflag:s7], $0x2800  }
0x12e: {  	[sflag:s7] =	ssyncset.done $0x0  }
0x12f: {  	[sflag:s7] =	ssyncadd.s32 $0xFFFFD800  }
0x130: {  	[bflag:$0x0] =	sbarrier.arrive $0xFFFF  }
0x131: {  	s21 =	rddreg [dreg:$0x19]  }
0x132: {  	[tilespmem:s6], [sflag:$0x4] =	stream.linear.gather [spmem:s21], $0x2800, $0x38;
	[tilespmem:$0x1E200] =	vst v63  }
0x133: {  	_ =	swait.ge [sflag:s7], $0x2800  }
0x134: {  	[sflag:s7] =	ssyncset.done $0x0  }
0x135: {  	s2 =	rddreg [dreg:$0xc];
	[sflag:s7] =	ssyncadd.s32 $0xFFFFD800  }
0x136: {  	[hbm4b:s2+s19] =	stream.linear.scatter [tilespmem:s6], [sflag:$0x4], $0x2800, $0x38;
	[tilespmem:$0x1E200] =	vst v63  }
0x137: {  	_ =	swait.ge [sflag:s7], $0x2800  }
0x138: {  	[sflag:s7] =	ssyncset.done $0x0  }
0x139: {  	[sflag:s7] =	ssyncadd.s32 $0xFFFFD800  }
0x13a: {  	[tilespmem:s6], [sflag:$0x4] =	stream.linear.gather [spmem:s3], $0x2800, $0x38;
	[tilespmem:$0x1E200] =	vst v63  }
0x13b: {  	_ =	swait.ge [sflag:s7], $0x2800  }
0x13c: {  	[sflag:s7] =	ssyncset.done $0x0  }
0x13d: {  	s1 =	smov.u32 s3;
	s3 =	rddreg [dreg:$0xd];
	[sflag:s7] =	ssyncadd.s32 $0xFFFFD800  }
0x13e: {  	[hbm4b:s3+s19] =	stream.linear.scatter [tilespmem:s6], [sflag:$0x4], $0x2800, $0x38;
	[tilespmem:$0x1E200] =	vst v63  }
0x13f: {  	_ =	swait.ge [sflag:s7], $0x2800  }
0x140: {  	[sflag:s7] =	ssyncset.done $0x0  }
0x141: {  	[sflag:s7] =	ssyncadd.s32 $0xFFFFD800  }
0x142: {  	[tilespmem:s6], [sflag:$0x4] =	stream.linear.gather [spmem:s4], $0x2800, $0x38;
	[tilespmem:$0x1E200] =	vst v63  }
0x143: {  	_ =	swait.ge [sflag:s7], $0x2800  }
0x144: {  	[sflag:s7] =	ssyncset.done $0x0  }
0x145: {  	s22 =	smov.u32 s4;
	s4 =	rddreg [dreg:$0xe];
	[sflag:s7] =	ssyncadd.s32 $0xFFFFD800  }
0x146: {  	[hbm4b:s4+s19] =	stream.linear.scatter [tilespmem:s6], [sflag:$0x4], $0x2800, $0x38;
	[tilespmem:$0x1E200] =	vst v63  }
0x147: {  	_ =	swait.ge [sflag:s7], $0x2800  }
0x148: {  	[sflag:s7] =	ssyncset.done $0x0  }
0x149: {  	[sflag:s7] =	ssyncadd.s32 $0xFFFFD800  }
0x14a: {  	[tilespmem:s6], [sflag:$0x4] =	stream.linear.gather [spmem:s5], $0x2800, $0x38;
	[tilespmem:$0x1E200] =	vst v63  }
0x14b: {  	_ =	swait.ge [sflag:s7], $0x2800  }
0x14c: {  	[sflag:s7] =	ssyncset.done $0x0  }
0x14d: {  	s30 =	smov.u32 s5;
	s5 =	rddreg [dreg:$0xf];
	[sflag:s7] =	ssyncadd.s32 $0xFFFFD800  }
0x14e: {  	[hbm4b:s5+s19] =	stream.linear.scatter [tilespmem:s6], [sflag:$0x4], $0x2800, $0x38;
	[tilespmem:$0x1E200] =	vst v63  }
0x14f: {  	_ =	swait.ge [sflag:s7], $0x2800  }
0x150: {  	[sflag:s7] =	ssyncset.done $0x0  }
0x151: {  	s31 =	rddreg [dreg:$0x17];
	[sflag:s7] =	ssyncadd.s32 $0xFFFFD800  }
0x152: {  	[tilespmem:s6], [sflag:$0x4] =	stream.linear.gather [spmem:s31], $0x2800, $0x38;
	[tilespmem:$0x1E200] =	vst v63  }
0x153: {  	_ =	swait.ge [sflag:s7], $0x2800  }
0x154: {  	[sflag:s7] =	ssyncset.done $0x0  }
0x155: {  	s2 =	rddreg [dreg:$0x10];
	[sflag:s7] =	ssyncadd.s32 $0xFFFFD800  }
0x156: {  	[hbm4b:s2+s19] =	stream.linear.scatter [tilespmem:s6], [sflag:$0x4], $0x2800, $0x38;
	[tilespmem:$0x1E200] =	vst v63  }
0x157: {  	_ =	swait.ge [sflag:s7], $0x2800  }
0x158: {  	[sflag:s7] =	ssyncset.done $0x0  }
0x159: {  	s2 =	rddreg [dreg:$0x18];
	[sflag:s7] =	ssyncadd.s32 $0xFFFFD800  }
0x15a: {  	[tilespmem:s6], [sflag:$0x4] =	stream.linear.gather [spmem:s2], $0x2800, $0x38;
	[tilespmem:$0x1E200] =	vst v63  }
0x15b: {  	_ =	swait.ge [sflag:s7], $0x2800  }
0x15c: {  	[sflag:s7] =	ssyncset.done $0x0  }
0x15d: {  	s3 =	rddreg [dreg:$0x11];
	[sflag:s7] =	ssyncadd.s32 $0xFFFFD800  }
0x15e: {  	[hbm4b:s3+s19] =	stream.linear.scatter [tilespmem:s6], [sflag:$0x4], $0x2800, $0x38;
	[tilespmem:$0x1E200] =	vst v63  }
0x15f: {  	_ =	swait.ge [sflag:s7], $0x2800  }
0x160: {  	[sflag:s7] =	ssyncset.done $0x0  }
0x161: {  	s3 =	rddreg [dreg:$0x1a];
	[sflag:s7] =	ssyncadd.s32 $0xFFFFD800  }
0x162: {  	[tilespmem:s6], [sflag:$0x4] =	stream.linear.gather [spmem:s3], $0x2800, $0x38;
	[tilespmem:$0x1E200] =	vst v63  }
0x163: {  	_ =	swait.ge [sflag:s7], $0x2800  }
0x164: {  	[sflag:s7] =	ssyncset.done $0x0  }
0x165: {  	s4 =	rddreg [dreg:$0x12];
	[sflag:s7] =	ssyncadd.s32 $0xFFFFD800  }
0x166: {  	[hbm4b:s4+s19] =	stream.linear.scatter [tilespmem:s6], [sflag:$0x4], $0x2800, $0x38;
	[tilespmem:$0x1E200] =	vst v63  }
0x167: {  	_ =	swait.ge [sflag:s7], $0x2800  }
0x168: {  	[sflag:s7] =	ssyncset.done $0x0  }
0x169: {  	s4 =	rddreg [dreg:$0x1b];
	[sflag:s7] =	ssyncadd.s32 $0xFFFFD800  }
0x16a: {  	[tilespmem:s6], [sflag:$0x4] =	stream.linear.gather [spmem:s4], $0x2800, $0x38;
	[tilespmem:$0x1E200] =	vst v63  }
0x16b: {  	_ =	swait.ge [sflag:s7], $0x2800  }
0x16c: {  	[sflag:s7] =	ssyncset.done $0x0  }
0x16d: {  	s5 =	rddreg [dreg:$0x13];
	[sflag:s7] =	ssyncadd.s32 $0xFFFFD800  }
0x16e: {  	[hbm4b:s5+s19] =	stream.linear.scatter [tilespmem:s6], [sflag:$0x4], $0x2800, $0x38;
	[tilespmem:$0x1E200] =	vst v63  }
0x16f: {  	_ =	swait.ge [sflag:s7], $0x2800  }
0x170: {  	s20 =	sadd.s32 $0x1, s20;
	s5 =	rddreg [dreg:$0x16]  }
0x171: {  	p0 =	sne.s32 s20, s5  }
.Ltmp1:
0x172: {  	_ = 	snop;
	(pc) =	sbr.rel @p0 .LBB2_1-.Ltmp1, $3  }
0x173: {  	_ =	sdelay $0x1  }
0x174: {  	[sflag:s7] =	ssyncset.done $0x0  }
0x175: {  	[sflag:s7] =	ssyncadd.s32 $0xFFFFD800  }
0x176: {  	_ =	sfence.sel $0x180000  }
0x177: {  	[bflag:$0x0] =	sbarrier.arrive $0xFFFF  }
0x178: {  	_ =	strace $0x90000047  }
0x179: {  	s0 =	stileid.u32;
	[bflag:$0x2] =	sbarrier.arrive $0xFFFF  }
0x17a: {  	p0 =	sne.s32 s0, $0x0;
	s0 =	rddreg [dreg:$0x2]  }
0x17b: {  	s0 =	sadd.s32 @!p0 $0x100000, s0  }
0x17c: {  	[sflag:s0] =	ssyncadd.tile.s32 @!p0 $0x1;
	_ =	shalt  }
.Lfunc_end2:
_tile_overlayer_lowered:
.L_overlay_start_2:
0x17d: {  	(tag) =	ssettag $0x2  }
0x17e: {  	s0 =	rddreg [dreg:$0x0];
	s2 =	stileid.u32  }
0x17f: {  	s1 =	rddreg [dreg:$0x1];
	p0 =	sne.s32 s2, $0x0  }
0x180: {  	s3 =	rddreg [dreg:$0x2];
	[bflag:$0x3] =	sbarrier.arrive $0xFFFF;
	s2 =	simm.s32 @!p0 $0x1C04  }
0x181: {  	[timem:s3], [sflag:s2] =	dma.local @!p0 [hbm:s0], s1  }
0x182: {  	s0 =	simm.s32 @!p0 $0x4  }
0x183: {  	_ =	swait.ge @!p0 [sflag:s0], s1  }
0x184: {  	s1 =	ssub.s32 @!p0 $0x0, s1;
	[sflag:s0] =	ssyncset.done @!p0 $0x0  }
0x185: {  	[sflag:s0] =	ssyncadd.s32 @!p0 s1  }
0x186: {  	[bflag:$0x3] =	sbarrier.arrive $0xFFFF  }
0x187: {  	_ =	shalt  }

</sc_bundles>
